<compile_context>
chip_gen: v7x
topology: tpu7x:2x2x1
jax: 0.10.2.dev20260603
libtpu: 0.0.44.dev20260713+nightly
codegen_flags: <defaults>
</compile_context>

<pallas_src>
import functools

import jax
import jax.numpy as jnp
from jax import lax
from jax.experimental import pallas as pl
from jax.experimental.pallas import tpu as pltpu
from jax.experimental.pallas import tpu_sc as plsc

_BATCH = 4096
_IN_DIM = 8192
_OUT_DIM = 16384

_NW = 32
_ROWS_PER_W = _BATCH // _NW
_R = 8
_NBLK = _ROWS_PER_W // _R
_OC = 1024
_NCH = _OUT_DIM // _OC
_GP2 = _OC // 32
_OCHUNK = _R * _OC

_mesh = plsc.VectorSubcoreMesh(core_axis_name="c", subcore_axis_name="s")


@functools.partial(
    pl.kernel,
    out_type=jax.ShapeDtypeStruct((_BATCH * _OUT_DIM,), jnp.float32),
    mesh=_mesh,
    compiler_params=pltpu.CompilerParams(needs_layout_passes=False),
    scratch_types=[
        pltpu.VMEM((_OUT_DIM,), jnp.int32),
        pltpu.VMEM((_OUT_DIM,), jnp.int32),
        pltpu.VMEM((_OUT_DIM // 2,), jnp.int32),
        pltpu.VMEM((_R * _IN_DIM,), jnp.float32),
        pltpu.VMEM((2 * _OCHUNK,), jnp.float32),
        pltpu.SemaphoreType.DMA,
    ],
)
def _logic_fwd(x_hbm, iaib_hbm, cacb_hbm, cabp_hbm, out_hbm,
               iaib_v, cacb_v, cabp_v, rows_v, ob_v, out_sem):
    wid = lax.axis_index("s") * 2 + lax.axis_index("c")
    pltpu.sync_copy(iaib_hbm, iaib_v)
    pltpu.sync_copy(cacb_hbm, cacb_v)
    pltpu.sync_copy(cabp_hbm, cabp_v)

    def out_drain():
        pltpu.make_async_copy(
            ob_v.at[pl.ds(0, _OCHUNK)],
            out_hbm.at[pl.ds(0, _OCHUNK)], out_sem).wait()

    def blk_body(blk, _):
        grp = wid * _NBLK + blk
        pltpu.sync_copy(
            x_hbm.at[pl.ds(grp * (_R * _IN_DIM), _R * _IN_DIM)], rows_v)

        def ch_body(ch, _):
            obuf = lax.rem(ch, 2)
            lin = blk * _NCH + ch

            @pl.when(lin >= 2)
            def _():
                out_drain()

            @plsc.parallel_loop(0, _GP2, 1, unroll=1)
            def gp_body(t):
                gbase = ch * _OC + t * 32
                cc2 = cabp_v[pl.ds(ch * (_OC // 2) + t * 16, 16)]
                cab2 = (plsc.bitcast(lax.shift_left(cc2, 16), jnp.float32),
                        plsc.bitcast(lax.bitwise_and(cc2, jnp.int32(-65536)),
                                     jnp.float32))
                for h in range(2):
                    g = t * 2 + h
                    v = iaib_v[pl.ds(gbase + h * 16, 16)]
                    ia = lax.bitwise_and(v, 0xFFFF)
                    ib = lax.shift_right_logical(v, 16)
                    cc = cacb_v[pl.ds(gbase + h * 16, 16)]
                    ca = plsc.bitcast(lax.shift_left(cc, 16), jnp.float32)
                    cb = plsc.bitcast(
                        lax.bitwise_and(cc, jnp.int32(-65536)), jnp.float32)
                    cab = cab2[h]
                    obase = obuf * _OCHUNK + (g // 8) * 1024 + (g % 8) * 16
                    for r in range(_R):
                        rowslc = rows_v.at[
                            pl.ds(r * 128, _R * _IN_DIM - 896)]
                        a = plsc.load_gather(rowslc, [ia])
                        b = plsc.load_gather(rowslc, [ib])
                        ob_v[pl.ds(obase + r * 128, 16)] = (
                            a * (ca + cab * b) + cb * b)

            pltpu.async_copy(
                ob_v.at[pl.ds(obuf * _OCHUNK, _OCHUNK)],
                out_hbm.at[pl.ds(grp * (_R * _OUT_DIM) + ch * _OCHUNK,
                                 _OCHUNK)],
                out_sem)
            return 0

        lax.fori_loop(0, _NCH, ch_body, 0)
        return 0

    lax.fori_loop(0, _NBLK, blk_body, 0)
    out_drain()
    out_drain()


def _bf16_bits(v):
    return jax.lax.bitcast_convert_type(
        v.astype(jnp.bfloat16), jnp.uint16).astype(jnp.int32)


@jax.jit
def kernel(x, weights, idx_a, idx_b):
    w = jax.nn.softmax(weights, axis=-1)
    ca = w[:, 2] + w[:, 3]
    cb = w[:, 4] + w[:, 5]
    cab = w[:, 1] - w[:, 2] - w[:, 4]
    ta = ((idx_a >> 7) << 10) | (idx_a & 127)
    tb = ((idx_b >> 7) << 10) | (idx_b & 127)
    iaib = ta | (tb << 16)
    cacb = (_bf16_bits(cb) << 16) | _bf16_bits(ca)
    cabr = _bf16_bits(cab).reshape(-1, 2, 16)
    cabp = ((cabr[:, 1, :] << 16) | cabr[:, 0, :]).reshape(-1)
    x_lin = x.reshape(_BATCH // 8, 8, _IN_DIM // 128, 128)
    x_lin = x_lin.transpose(0, 2, 1, 3).reshape(-1)
    out = _logic_fwd(x_lin, iaib, cacb, cabp)
    out = out.reshape(_BATCH // 8, _OUT_DIM // 128, 8, 128)
    out = out.transpose(0, 2, 1, 3).reshape(_BATCH, _OUT_DIM)
    return out

# --- scband reference (transcript-rebuilt; emitter-appended) ---
"""Pipeline reference for scband-logic-layer-51805895524382 (READ-ONLY COPY).

The authoritative reference and input builder live on the scoring server;
editing this copy changes nothing except your own understanding.
"""

import jax, jax.numpy as jnp
import numpy as np

BATCH = 4096
IN_DIM = 8192
OUT_DIM = 16384
N_OPS = 6  # NOTE: the given module initializes weights as randn(out_dim, 6)


def _make_connections():
    # faithful port of connections='random':
    #   c = randperm(2*out_dim) % in_dim; c = randperm(in_dim)[c]; reshape(2, out_dim)
    rng = np.random.RandomState(0)
    c = rng.permutation(2 * OUT_DIM) % IN_DIM
    c = rng.permutation(IN_DIM)[c]
    c = c.reshape(2, OUT_DIM)
    return jnp.asarray(c[0], dtype=jnp.int32), jnp.asarray(c[1], dtype=jnp.int32)


def setup_inputs(seed: int = 0) -> dict:
    key = jax.random.key(seed)
    k1, k2 = jax.random.split(key, 2)
    x = jax.random.normal(k1, (BATCH, IN_DIM), dtype=jnp.float32)
    weights = jax.random.normal(k2, (OUT_DIM, N_OPS), dtype=jnp.float32)
    idx_a, idx_b = _make_connections()
    return {"x": x, "weights": weights, "idx_a": idx_a, "idx_b": idx_b}


def _bin_ops(a, b):
    # first 6 of the 16 standard differentiable logic ops (weights has 6 columns)
    ab = a * b
    return [jnp.zeros_like(a),  # 0: false
            ab,                 # 1: a AND b
            a - ab,             # 2: a AND NOT b
            a,                  # 3: a
            b - ab,             # 4: NOT a AND b
            b]                  # 5: b


def reference(x, weights, idx_a, idx_b):
    # training-mode forward (nn.Module default): softmax-mixed logic ops
    a = jnp.take(x, idx_a, axis=-1)
    b = jnp.take(x, idx_b, axis=-1)
    w = jax.nn.softmax(weights, axis=-1)  # [out_dim, 6]
    ops = _bin_ops(a, b)
    r = jnp.zeros_like(a)
    for i in range(N_OPS):
        r = r + w[..., i] * ops[i]
    return r

if __name__ == "__main__":
    import jax
    _d = setup_inputs()
    print(jax.jit(kernel)(*tuple(_d.values())))

</pallas_src>

<mosaic_0001>
#map = affine_map<(d0, d1) -> (0)>
module attributes {stable_mosaic.version = 14 : i64} {
  func.func @_logic_fwd(%arg0: i32, %arg1: i32, %arg2: memref<33554432xf32, #tpu.memory_space<hbm>>, %arg3: memref<16384xi32, #tpu.memory_space<hbm>>, %arg4: memref<16384xi32, #tpu.memory_space<hbm>>, %arg5: memref<8192xi32, #tpu.memory_space<hbm>>, %arg6: memref<67108864xf32, #tpu.memory_space<hbm>>, %arg7: memref<16384xi32, #tpu.memory_space<vmem>>, %arg8: memref<16384xi32, #tpu.memory_space<vmem>>, %arg9: memref<8192xi32, #tpu.memory_space<vmem>>, %arg10: memref<65536xf32, #tpu.memory_space<vmem>>, %arg11: memref<16384xf32, #tpu.memory_space<vmem>>, %arg12: memref<!tpu.dma_semaphore, #tpu.memory_space<semaphore_mem>>) attributes {dimension_semantics = [#tpu.dimension_semantics<core_parallel>, #tpu.dimension_semantics<subcore_parallel>], iteration_bounds = array<i64: 2, 16>, scalar_prefetch = 0 : i64, scratch_operands = 6 : i64, tpu.core_type = #tpu.core_type<sc_vector_subcore>, window_params = [{transform_indices = #map}, {transform_indices = #map}, {transform_indices = #map}, {transform_indices = #map}, {transform_indices = #map}]} {
    %mul3A = arith.constant 2 : i32
    %mul3A_0 = arith.muli %arg1, %mul3A : i32
    %add3A = arith.addi %mul3A_0, %arg0 : i32
    "tpu.region"() ({
      %run_scoped3A = tpu.sem_alloc : memref<!tpu.dma_semaphore, #tpu.memory_space<semaphore_mem>>
      tpu.enqueue_dma source(%arg3 : memref<16384xi32, #tpu.memory_space<hbm>>) target(%arg7 : memref<16384xi32, #tpu.memory_space<vmem>>) target_semaphore(%run_scoped3A : memref<!tpu.dma_semaphore, #tpu.memory_space<semaphore_mem>>)
      tpu.wait_dma2 semaphore(%run_scoped3A : memref<!tpu.dma_semaphore, #tpu.memory_space<semaphore_mem>>) src(%arg3 : memref<16384xi32, #tpu.memory_space<hbm>>) dst(%arg7 : memref<16384xi32, #tpu.memory_space<vmem>>)
      tpu.yield
    }) : () -> ()
    "tpu.region"() ({
      %run_scoped3A = tpu.sem_alloc : memref<!tpu.dma_semaphore, #tpu.memory_space<semaphore_mem>>
      tpu.enqueue_dma source(%arg4 : memref<16384xi32, #tpu.memory_space<hbm>>) target(%arg8 : memref<16384xi32, #tpu.memory_space<vmem>>) target_semaphore(%run_scoped3A : memref<!tpu.dma_semaphore, #tpu.memory_space<semaphore_mem>>)
      tpu.wait_dma2 semaphore(%run_scoped3A : memref<!tpu.dma_semaphore, #tpu.memory_space<semaphore_mem>>) src(%arg4 : memref<16384xi32, #tpu.memory_space<hbm>>) dst(%arg8 : memref<16384xi32, #tpu.memory_space<vmem>>)
      tpu.yield
    }) : () -> ()
    "tpu.region"() ({
      %run_scoped3A = tpu.sem_alloc : memref<!tpu.dma_semaphore, #tpu.memory_space<semaphore_mem>>
      tpu.enqueue_dma source(%arg5 : memref<8192xi32, #tpu.memory_space<hbm>>) target(%arg9 : memref<8192xi32, #tpu.memory_space<vmem>>) target_semaphore(%run_scoped3A : memref<!tpu.dma_semaphore, #tpu.memory_space<semaphore_mem>>)
      tpu.wait_dma2 semaphore(%run_scoped3A : memref<!tpu.dma_semaphore, #tpu.memory_space<semaphore_mem>>) src(%arg5 : memref<8192xi32, #tpu.memory_space<hbm>>) dst(%arg9 : memref<8192xi32, #tpu.memory_space<vmem>>)
      tpu.yield
    }) : () -> ()
    %scan3A = arith.constant 0 : i32
    %scan3A_1 = arith.constant 0 : i32
    %scan3A_2 = arith.constant 16 : i32
    %scan3A_3 = arith.addi %scan3A_1, %scan3A_2 : i32
    %scan3A_4 = arith.constant 1 : i32
    %scan3A_5 = scf.for %scan3A_22 = %scan3A_1 to %scan3A_3 step %scan3A_4 iter_args(%scan3A_23 = %scan3A) -> (i32)  : i32 {
      %mul3A_24 = arith.constant 16 : i32
      %mul3A_25 = arith.muli %add3A, %mul3A_24 : i32
      %add3A_26 = arith.addi %mul3A_25, %scan3A_22 : i32
      %mul3A_27 = arith.constant 65536 : i32
      %mul3A_28 = arith.muli %add3A_26, %mul3A_27 : i32
      "tpu.region"() ({
        %run_scoped3A = tpu.sem_alloc : memref<!tpu.dma_semaphore, #tpu.memory_space<semaphore_mem>>
        %dma_start3A = tpu.memref_slice %arg2[%mul3A_28] : memref<33554432xf32, #tpu.memory_space<hbm>> -> memref<65536xf32, #tpu.memory_space<hbm>>
        %dma_start3A_37 = tpu.memref_slice %arg2[%mul3A_28] : memref<33554432xf32, #tpu.memory_space<hbm>> -> memref<65536xf32, #tpu.memory_space<hbm>>
        tpu.enqueue_dma source(%dma_start3A_37 : memref<65536xf32, #tpu.memory_space<hbm>>) target(%arg10 : memref<65536xf32, #tpu.memory_space<vmem>>) target_semaphore(%run_scoped3A : memref<!tpu.dma_semaphore, #tpu.memory_space<semaphore_mem>>)
        %dma_wait3A_38 = tpu.memref_slice %arg2[%mul3A_28] : memref<33554432xf32, #tpu.memory_space<hbm>> -> memref<65536xf32, #tpu.memory_space<hbm>>
        %dma_wait3A_39 = tpu.memref_slice %arg2[%mul3A_28] : memref<33554432xf32, #tpu.memory_space<hbm>> -> memref<65536xf32, #tpu.memory_space<hbm>>
        tpu.wait_dma2 semaphore(%run_scoped3A : memref<!tpu.dma_semaphore, #tpu.memory_space<semaphore_mem>>) src(%dma_wait3A_39 : memref<65536xf32, #tpu.memory_space<hbm>>) dst(%arg10 : memref<65536xf32, #tpu.memory_space<vmem>>)
        tpu.yield
      }) : () -> ()
      %scan3A_29 = arith.constant 0 : i32
      %scan3A_30 = arith.constant 0 : i32
      %scan3A_31 = arith.constant 16 : i32
      %scan3A_32 = arith.addi %scan3A_30, %scan3A_31 : i32
      %scan3A_33 = arith.constant 1 : i32
      %scan3A_34 = scf.for %scan3A_37 = %scan3A_30 to %scan3A_32 step %scan3A_33 iter_args(%scan3A_38 = %scan3A_29) -> (i32)  : i32 {
        %rem3A = arith.constant 2 : i32
        %rem3A_39 = arith.remsi %scan3A_37, %rem3A : i32
        %mul3A_40 = arith.constant 16 : i32
        %mul3A_41 = arith.muli %scan3A_22, %mul3A_40 : i32
        %add3A_42 = arith.addi %mul3A_41, %scan3A_37 : i32
        %ge3A = arith.constant 2 : i32
        %ge3A_43 = arith.cmpi sge, %add3A_42, %ge3A : i32
        %convert_element_type3A = arith.extui %ge3A_43 : i1 to i32
        %cond3A = arith.constant 0 : i32
        %cond3A_44 = arith.cmpi ne, %convert_element_type3A, %cond3A : i32
        scf.if %cond3A_44 {
          %dma_wait3A_58 = arith.constant 0 : i32
          %dma_wait3A_59 = tpu.memref_slice %arg11[%dma_wait3A_58] : memref<16384xf32, #tpu.memory_space<vmem>> -> memref<8192xf32, #tpu.memory_space<vmem>>
          %dma_wait3A_60 = arith.constant 0 : i32
          %dma_wait3A_61 = tpu.memref_slice %arg6[%dma_wait3A_60] : memref<67108864xf32, #tpu.memory_space<hbm>> -> memref<8192xf32, #tpu.memory_space<hbm>>
          %dma_wait3A_62 = arith.constant 0 : i32
          %dma_wait3A_63 = tpu.memref_slice %arg6[%dma_wait3A_62] : memref<67108864xf32, #tpu.memory_space<hbm>> -> memref<8192xf32, #tpu.memory_space<hbm>>
          %dma_wait3A_64 = arith.constant 0 : i32
          %dma_wait3A_65 = tpu.memref_slice %arg11[%dma_wait3A_64] : memref<16384xf32, #tpu.memory_space<vmem>> -> memref<8192xf32, #tpu.memory_space<vmem>>
          tpu.wait_dma2 semaphore(%arg12 : memref<!tpu.dma_semaphore, #tpu.memory_space<semaphore_mem>>) src(%dma_wait3A_65 : memref<8192xf32, #tpu.memory_space<vmem>>) dst(%dma_wait3A_63 : memref<8192xf32, #tpu.memory_space<hbm>>)
        } else {
        }
        %parallel_loop3A = arith.constant 0 : i32
        %parallel_loop3A_45 = arith.constant 32 : i32
        %parallel_loop3A_46 = arith.constant 1 : i32
        scf.for %parallel_loop3A_58 = %parallel_loop3A to %parallel_loop3A_45 step %parallel_loop3A_46  : i32 {
          %parallel_loop3A_59 = arith.constant 1024 : i32
          %parallel_loop3A_60 = arith.muli %scan3A_37, %parallel_loop3A_59 : i32
          %parallel_loop3A_61 = arith.constant 32 : i32
          %parallel_loop3A_62 = arith.muli %parallel_loop3A_58, %parallel_loop3A_61 : i32
          %parallel_loop3A_63 = arith.addi %parallel_loop3A_60, %parallel_loop3A_62 : i32
          %parallel_loop3A_64 = arith.constant 512 : i32
          %parallel_loop3A_65 = arith.muli %scan3A_37, %parallel_loop3A_64 : i32
          %parallel_loop3A_66 = arith.constant 16 : i32
          %parallel_loop3A_67 = arith.muli %parallel_loop3A_58, %parallel_loop3A_66 : i32
          %parallel_loop3A_68 = arith.addi %parallel_loop3A_65, %parallel_loop3A_67 : i32
          %parallel_loop3A_69 = arith.index_cast %parallel_loop3A_68 : i32 to index
          %parallel_loop3A_70 = tpu.vector_load %arg9[%parallel_loop3A_69] {strides = array<i32>} : memref<8192xi32, #tpu.memory_space<vmem>>, vector<16xi32>,
          %parallel_loop3A_71 = arith.constant 16 : i32
          %parallel_loop3A_72 = vector.broadcast %parallel_loop3A_71 : i32 to vector<16xi32>
          %parallel_loop3A_73 = arith.shli %parallel_loop3A_70, %parallel_loop3A_72 : vector<16xi32>
          %parallel_loop3A_74 = vector.bitcast %parallel_loop3A_73 : vector<16xi32> to vector<16xf32>
          %parallel_loop3A_75 = arith.constant -65536 : i32
          %parallel_loop3A_76 = vector.broadcast %parallel_loop3A_75 : i32 to vector<16xi32>
          %parallel_loop3A_77 = arith.andi %parallel_loop3A_70, %parallel_loop3A_76 : vector<16xi32>
          %parallel_loop3A_78 = vector.bitcast %parallel_loop3A_77 : vector<16xi32> to vector<16xf32>
          %parallel_loop3A_79 = arith.constant 2 : i32
          %parallel_loop3A_80 = arith.muli %parallel_loop3A_58, %parallel_loop3A_79 : i32
          %parallel_loop3A_81 = arith.constant 0 : i32
          %parallel_loop3A_82 = arith.addi %parallel_loop3A_80, %parallel_loop3A_81 : i32
          %parallel_loop3A_83 = arith.constant 0 : i32
          %parallel_loop3A_84 = arith.addi %parallel_loop3A_63, %parallel_loop3A_83 : i32
          %parallel_loop3A_85 = arith.index_cast %parallel_loop3A_84 : i32 to index
          %parallel_loop3A_86 = tpu.vector_load %arg7[%parallel_loop3A_85] {strides = array<i32>} : memref<16384xi32, #tpu.memory_space<vmem>>, vector<16xi32>,
          %parallel_loop3A_87 = arith.constant 65535 : i32
          %parallel_loop3A_88 = vector.broadcast %parallel_loop3A_87 : i32 to vector<16xi32>
          %parallel_loop3A_89 = arith.andi %parallel_loop3A_86, %parallel_loop3A_88 : vector<16xi32>
          %parallel_loop3A_90 = arith.constant 16 : i32
          %parallel_loop3A_91 = vector.broadcast %parallel_loop3A_90 : i32 to vector<16xi32>
          %parallel_loop3A_92 = arith.shrui %parallel_loop3A_86, %parallel_loop3A_91 : vector<16xi32>
          %parallel_loop3A_93 = arith.constant 0 : i32
          %parallel_loop3A_94 = arith.addi %parallel_loop3A_63, %parallel_loop3A_93 : i32
          %parallel_loop3A_95 = arith.index_cast %parallel_loop3A_94 : i32 to index
          %parallel_loop3A_96 = tpu.vector_load %arg8[%parallel_loop3A_95] {strides = array<i32>} : memref<16384xi32, #tpu.memory_space<vmem>>, vector<16xi32>,
          %parallel_loop3A_97 = arith.constant 16 : i32
          %parallel_loop3A_98 = vector.broadcast %parallel_loop3A_97 : i32 to vector<16xi32>
          %parallel_loop3A_99 = arith.shli %parallel_loop3A_96, %parallel_loop3A_98 : vector<16xi32>
          %parallel_loop3A_100 = vector.bitcast %parallel_loop3A_99 : vector<16xi32> to vector<16xf32>
          %parallel_loop3A_101 = arith.constant -65536 : i32
          %parallel_loop3A_102 = vector.broadcast %parallel_loop3A_101 : i32 to vector<16xi32>
          %parallel_loop3A_103 = arith.andi %parallel_loop3A_96, %parallel_loop3A_102 : vector<16xi32>
          %parallel_loop3A_104 = vector.bitcast %parallel_loop3A_103 : vector<16xi32> to vector<16xf32>
          %parallel_loop3A_105 = arith.constant 8192 : i32
          %parallel_loop3A_106 = arith.muli %rem3A_39, %parallel_loop3A_105 : i32
          %parallel_loop3A_107 = arith.constant 8 : i32
          %parallel_loop3A_108 = arith.divsi %parallel_loop3A_82, %parallel_loop3A_107 : i32
          %parallel_loop3A_109 = arith.constant 0 : i32
          %parallel_loop3A_110 = arith.cmpi sgt, %parallel_loop3A_82, %parallel_loop3A_109 : i32
          %parallel_loop3A_111 = arith.extui %parallel_loop3A_110 : i1 to i32
          %parallel_loop3A_112 = arith.constant 0 : i32
          %parallel_loop3A_113 = arith.cmpi slt, %parallel_loop3A_82, %parallel_loop3A_112 : i32
          %parallel_loop3A_114 = arith.extui %parallel_loop3A_113 : i1 to i32
          %parallel_loop3A_115 = arith.subi %parallel_loop3A_111, %parallel_loop3A_114 : i32
          %parallel_loop3A_116 = arith.constant 0 : i32
          %parallel_loop3A_117 = arith.cmpi sgt, %parallel_loop3A_107, %parallel_loop3A_116 : i32
          %parallel_loop3A_118 = arith.extui %parallel_loop3A_117 : i1 to i32
          %parallel_loop3A_119 = arith.constant 0 : i32
          %parallel_loop3A_120 = arith.cmpi slt, %parallel_loop3A_107, %parallel_loop3A_119 : i32
          %parallel_loop3A_121 = arith.extui %parallel_loop3A_120 : i1 to i32
          %parallel_loop3A_122 = arith.subi %parallel_loop3A_118, %parallel_loop3A_121 : i32
          %parallel_loop3A_123 = arith.cmpi ne, %parallel_loop3A_115, %parallel_loop3A_122 : i32
          %parallel_loop3A_124 = arith.remsi %parallel_loop3A_82, %parallel_loop3A_107 : i32
          %parallel_loop3A_125 = arith.constant 0 : i32
          %parallel_loop3A_126 = arith.cmpi ne, %parallel_loop3A_124, %parallel_loop3A_125 : i32
          %parallel_loop3A_127 = arith.andi %parallel_loop3A_123, %parallel_loop3A_126 : i1
          %parallel_loop3A_128 = arith.constant 1 : i32
          %parallel_loop3A_129 = arith.subi %parallel_loop3A_108, %parallel_loop3A_128 : i32
          %parallel_loop3A_130 = arith.select %parallel_loop3A_127, %parallel_loop3A_129, %parallel_loop3A_108 : i32
          %parallel_loop3A_131 = arith.constant 1024 : i32
          %parallel_loop3A_132 = arith.muli %parallel_loop3A_130, %parallel_loop3A_131 : i32
          %parallel_loop3A_133 = arith.addi %parallel_loop3A_106, %parallel_loop3A_132 : i32
          %parallel_loop3A_134 = arith.constant 8 : i32
          %parallel_loop3A_135 = arith.constant 0 : i32
          %parallel_loop3A_136 = arith.cmpi eq, %parallel_loop3A_134, %parallel_loop3A_135 : i32
          %parallel_loop3A_137 = arith.constant 1 : i32
          %parallel_loop3A_138 = arith.select %parallel_loop3A_136, %parallel_loop3A_137, %parallel_loop3A_134 : i32
          %parallel_loop3A_139 = arith.remsi %parallel_loop3A_82, %parallel_loop3A_138 : i32
          %parallel_loop3A_140 = arith.constant 0 : i32
          %parallel_loop3A_141 = arith.cmpi ne, %parallel_loop3A_139, %parallel_loop3A_140 : i32
          %parallel_loop3A_142 = arith.constant 0 : i32
          %parallel_loop3A_143 = arith.cmpi slt, %parallel_loop3A_139, %parallel_loop3A_142 : i32
          %parallel_loop3A_144 = arith.constant 0 : i32
          %parallel_loop3A_145 = arith.cmpi slt, %parallel_loop3A_138, %parallel_loop3A_144 : i32
          %parallel_loop3A_146 = arith.xori %parallel_loop3A_143, %parallel_loop3A_145 : i1
          %parallel_loop3A_147 = arith.andi %parallel_loop3A_146, %parallel_loop3A_141 : i1
          %parallel_loop3A_148 = arith.addi %parallel_loop3A_139, %parallel_loop3A_138 : i32
          %parallel_loop3A_149 = arith.select %parallel_loop3A_147, %parallel_loop3A_148, %parallel_loop3A_139 : i32
          %parallel_loop3A_150 = arith.constant 16 : i32
          %parallel_loop3A_151 = arith.muli %parallel_loop3A_149, %parallel_loop3A_150 : i32
          %parallel_loop3A_152 = arith.addi %parallel_loop3A_133, %parallel_loop3A_151 : i32
          %parallel_loop3A_153 = arith.constant 0 : i32
          %parallel_loop3A_154 = tpu.memref_slice %arg10[%parallel_loop3A_153] : memref<65536xf32, #tpu.memory_space<vmem>> -> memref<64640xf32, #tpu.memory_space<vmem>>
          %parallel_loop3A_155 = tpu.vector_load_idx %parallel_loop3A_154[%parallel_loop3A_89] : memref<64640xf32, #tpu.memory_space<vmem>>[vector<16xi32>], vector<16xf32>,
          %parallel_loop3A_156 = arith.constant 0 : i32
          %parallel_loop3A_157 = tpu.memref_slice %arg10[%parallel_loop3A_156] : memref<65536xf32, #tpu.memory_space<vmem>> -> memref<64640xf32, #tpu.memory_space<vmem>>
          %parallel_loop3A_158 = tpu.vector_load_idx %parallel_loop3A_157[%parallel_loop3A_92] : memref<64640xf32, #tpu.memory_space<vmem>>[vector<16xi32>], vector<16xf32>,
          %parallel_loop3A_159 = arith.mulf %parallel_loop3A_74, %parallel_loop3A_158 : vector<16xf32>
          %parallel_loop3A_160 = arith.addf %parallel_loop3A_100, %parallel_loop3A_159 : vector<16xf32>
          %parallel_loop3A_161 = arith.mulf %parallel_loop3A_155, %parallel_loop3A_160 : vector<16xf32>
          %parallel_loop3A_162 = arith.mulf %parallel_loop3A_104, %parallel_loop3A_158 : vector<16xf32>
          %parallel_loop3A_163 = arith.addf %parallel_loop3A_161, %parallel_loop3A_162 : vector<16xf32>
          %parallel_loop3A_164 = arith.constant 0 : i32
          %parallel_loop3A_165 = arith.addi %parallel_loop3A_152, %parallel_loop3A_164 : i32
          %parallel_loop3A_166 = arith.index_cast %parallel_loop3A_165 : i32 to index
          %parallel_loop3A_167 = tpu.vector_load %arg11[%parallel_loop3A_166] {strides = array<i32>} : memref<16384xf32, #tpu.memory_space<vmem>>, vector<16xf32>,
          tpu.vector_store %arg11[%parallel_loop3A_166], %parallel_loop3A_163 {strides = array<i32>} : memref<16384xf32, #tpu.memory_space<vmem>>, vector<16xf32>,
          %parallel_loop3A_168 = arith.constant 128 : i32
          %parallel_loop3A_169 = tpu.memref_slice %arg10[%parallel_loop3A_168] : memref<65536xf32, #tpu.memory_space<vmem>> -> memref<64640xf32, #tpu.memory_space<vmem>>
          %parallel_loop3A_170 = tpu.vector_load_idx %parallel_loop3A_169[%parallel_loop3A_89] : memref<64640xf32, #tpu.memory_space<vmem>>[vector<16xi32>], vector<16xf32>,
          %parallel_loop3A_171 = arith.constant 128 : i32
          %parallel_loop3A_172 = tpu.memref_slice %arg10[%parallel_loop3A_171] : memref<65536xf32, #tpu.memory_space<vmem>> -> memref<64640xf32, #tpu.memory_space<vmem>>
          %parallel_loop3A_173 = tpu.vector_load_idx %parallel_loop3A_172[%parallel_loop3A_92] : memref<64640xf32, #tpu.memory_space<vmem>>[vector<16xi32>], vector<16xf32>,
          %parallel_loop3A_174 = arith.mulf %parallel_loop3A_74, %parallel_loop3A_173 : vector<16xf32>
          %parallel_loop3A_175 = arith.addf %parallel_loop3A_100, %parallel_loop3A_174 : vector<16xf32>
          %parallel_loop3A_176 = arith.mulf %parallel_loop3A_170, %parallel_loop3A_175 : vector<16xf32>
          %parallel_loop3A_177 = arith.mulf %parallel_loop3A_104, %parallel_loop3A_173 : vector<16xf32>
          %parallel_loop3A_178 = arith.addf %parallel_loop3A_176, %parallel_loop3A_177 : vector<16xf32>
          %parallel_loop3A_179 = arith.constant 128 : i32
          %parallel_loop3A_180 = arith.addi %parallel_loop3A_152, %parallel_loop3A_179 : i32
          %parallel_loop3A_181 = arith.index_cast %parallel_loop3A_180 : i32 to index
          %parallel_loop3A_182 = tpu.vector_load %arg11[%parallel_loop3A_181] {strides = array<i32>} : memref<16384xf32, #tpu.memory_space<vmem>>, vector<16xf32>,
          tpu.vector_store %arg11[%parallel_loop3A_181], %parallel_loop3A_178 {strides = array<i32>} : memref<16384xf32, #tpu.memory_space<vmem>>, vector<16xf32>,
          %parallel_loop3A_183 = arith.constant 256 : i32
          %parallel_loop3A_184 = tpu.memref_slice %arg10[%parallel_loop3A_183] : memref<65536xf32, #tpu.memory_space<vmem>> -> memref<64640xf32, #tpu.memory_space<vmem>>
          %parallel_loop3A_185 = tpu.vector_load_idx %parallel_loop3A_184[%parallel_loop3A_89] : memref<64640xf32, #tpu.memory_space<vmem>>[vector<16xi32>], vector<16xf32>,
          %parallel_loop3A_186 = arith.constant 256 : i32
          %parallel_loop3A_187 = tpu.memref_slice %arg10[%parallel_loop3A_186] : memref<65536xf32, #tpu.memory_space<vmem>> -> memref<64640xf32, #tpu.memory_space<vmem>>
          %parallel_loop3A_188 = tpu.vector_load_idx %parallel_loop3A_187[%parallel_loop3A_92] : memref<64640xf32, #tpu.memory_space<vmem>>[vector<16xi32>], vector<16xf32>,
          %parallel_loop3A_189 = arith.mulf %parallel_loop3A_74, %parallel_loop3A_188 : vector<16xf32>
          %parallel_loop3A_190 = arith.addf %parallel_loop3A_100, %parallel_loop3A_189 : vector<16xf32>
          %parallel_loop3A_191 = arith.mulf %parallel_loop3A_185, %parallel_loop3A_190 : vector<16xf32>
          %parallel_loop3A_192 = arith.mulf %parallel_loop3A_104, %parallel_loop3A_188 : vector<16xf32>
          %parallel_loop3A_193 = arith.addf %parallel_loop3A_191, %parallel_loop3A_192 : vector<16xf32>
          %parallel_loop3A_194 = arith.constant 256 : i32
          %parallel_loop3A_195 = arith.addi %parallel_loop3A_152, %parallel_loop3A_194 : i32
          %parallel_loop3A_196 = arith.index_cast %parallel_loop3A_195 : i32 to index
          %parallel_loop3A_197 = tpu.vector_load %arg11[%parallel_loop3A_196] {strides = array<i32>} : memref<16384xf32, #tpu.memory_space<vmem>>, vector<16xf32>,
          tpu.vector_store %arg11[%parallel_loop3A_196], %parallel_loop3A_193 {strides = array<i32>} : memref<16384xf32, #tpu.memory_space<vmem>>, vector<16xf32>,
          %parallel_loop3A_198 = arith.constant 384 : i32
          %parallel_loop3A_199 = tpu.memref_slice %arg10[%parallel_loop3A_198] : memref<65536xf32, #tpu.memory_space<vmem>> -> memref<64640xf32, #tpu.memory_space<vmem>>
          %parallel_loop3A_200 = tpu.vector_load_idx %parallel_loop3A_199[%parallel_loop3A_89] : memref<64640xf32, #tpu.memory_space<vmem>>[vector<16xi32>], vector<16xf32>,
          %parallel_loop3A_201 = arith.constant 384 : i32
          %parallel_loop3A_202 = tpu.memref_slice %arg10[%parallel_loop3A_201] : memref<65536xf32, #tpu.memory_space<vmem>> -> memref<64640xf32, #tpu.memory_space<vmem>>
          %parallel_loop3A_203 = tpu.vector_load_idx %parallel_loop3A_202[%parallel_loop3A_92] : memref<64640xf32, #tpu.memory_space<vmem>>[vector<16xi32>], vector<16xf32>,
          %parallel_loop3A_204 = arith.mulf %parallel_loop3A_74, %parallel_loop3A_203 : vector<16xf32>
          %parallel_loop3A_205 = arith.addf %parallel_loop3A_100, %parallel_loop3A_204 : vector<16xf32>
          %parallel_loop3A_206 = arith.mulf %parallel_loop3A_200, %parallel_loop3A_205 : vector<16xf32>
          %parallel_loop3A_207 = arith.mulf %parallel_loop3A_104, %parallel_loop3A_203 : vector<16xf32>
          %parallel_loop3A_208 = arith.addf %parallel_loop3A_206, %parallel_loop3A_207 : vector<16xf32>
          %parallel_loop3A_209 = arith.constant 384 : i32
          %parallel_loop3A_210 = arith.addi %parallel_loop3A_152, %parallel_loop3A_209 : i32
          %parallel_loop3A_211 = arith.index_cast %parallel_loop3A_210 : i32 to index
          %parallel_loop3A_212 = tpu.vector_load %arg11[%parallel_loop3A_211] {strides = array<i32>} : memref<16384xf32, #tpu.memory_space<vmem>>, vector<16xf32>,
          tpu.vector_store %arg11[%parallel_loop3A_211], %parallel_loop3A_208 {strides = array<i32>} : memref<16384xf32, #tpu.memory_space<vmem>>, vector<16xf32>,
          %parallel_loop3A_213 = arith.constant 512 : i32
          %parallel_loop3A_214 = tpu.memref_slice %arg10[%parallel_loop3A_213] : memref<65536xf32, #tpu.memory_space<vmem>> -> memref<64640xf32, #tpu.memory_space<vmem>>
          %parallel_loop3A_215 = tpu.vector_load_idx %parallel_loop3A_214[%parallel_loop3A_89] : memref<64640xf32, #tpu.memory_space<vmem>>[vector<16xi32>], vector<16xf32>,
          %parallel_loop3A_216 = arith.constant 512 : i32
          %parallel_loop3A_217 = tpu.memref_slice %arg10[%parallel_loop3A_216] : memref<65536xf32, #tpu.memory_space<vmem>> -> memref<64640xf32, #tpu.memory_space<vmem>>
          %parallel_loop3A_218 = tpu.vector_load_idx %parallel_loop3A_217[%parallel_loop3A_92] : memref<64640xf32, #tpu.memory_space<vmem>>[vector<16xi32>], vector<16xf32>,
          %parallel_loop3A_219 = arith.mulf %parallel_loop3A_74, %parallel_loop3A_218 : vector<16xf32>
          %parallel_loop3A_220 = arith.addf %parallel_loop3A_100, %parallel_loop3A_219 : vector<16xf32>
          %parallel_loop3A_221 = arith.mulf %parallel_loop3A_215, %parallel_loop3A_220 : vector<16xf32>
          %parallel_loop3A_222 = arith.mulf %parallel_loop3A_104, %parallel_loop3A_218 : vector<16xf32>
          %parallel_loop3A_223 = arith.addf %parallel_loop3A_221, %parallel_loop3A_222 : vector<16xf32>
          %parallel_loop3A_224 = arith.constant 512 : i32
          %parallel_loop3A_225 = arith.addi %parallel_loop3A_152, %parallel_loop3A_224 : i32
          %parallel_loop3A_226 = arith.index_cast %parallel_loop3A_225 : i32 to index
          %parallel_loop3A_227 = tpu.vector_load %arg11[%parallel_loop3A_226] {strides = array<i32>} : memref<16384xf32, #tpu.memory_space<vmem>>, vector<16xf32>,
          tpu.vector_store %arg11[%parallel_loop3A_226], %parallel_loop3A_223 {strides = array<i32>} : memref<16384xf32, #tpu.memory_space<vmem>>, vector<16xf32>,
          %parallel_loop3A_228 = arith.constant 640 : i32
          %parallel_loop3A_229 = tpu.memref_slice %arg10[%parallel_loop3A_228] : memref<65536xf32, #tpu.memory_space<vmem>> -> memref<64640xf32, #tpu.memory_space<vmem>>
          %parallel_loop3A_230 = tpu.vector_load_idx %parallel_loop3A_229[%parallel_loop3A_89] : memref<64640xf32, #tpu.memory_space<vmem>>[vector<16xi32>], vector<16xf32>,
          %parallel_loop3A_231 = arith.constant 640 : i32
          %parallel_loop3A_232 = tpu.memref_slice %arg10[%parallel_loop3A_231] : memref<65536xf32, #tpu.memory_space<vmem>> -> memref<64640xf32, #tpu.memory_space<vmem>>
          %parallel_loop3A_233 = tpu.vector_load_idx %parallel_loop3A_232[%parallel_loop3A_92] : memref<64640xf32, #tpu.memory_space<vmem>>[vector<16xi32>], vector<16xf32>,
          %parallel_loop3A_234 = arith.mulf %parallel_loop3A_74, %parallel_loop3A_233 : vector<16xf32>
          %parallel_loop3A_235 = arith.addf %parallel_loop3A_100, %parallel_loop3A_234 : vector<16xf32>
          %parallel_loop3A_236 = arith.mulf %parallel_loop3A_230, %parallel_loop3A_235 : vector<16xf32>
          %parallel_loop3A_237 = arith.mulf %parallel_loop3A_104, %parallel_loop3A_233 : vector<16xf32>
          %parallel_loop3A_238 = arith.addf %parallel_loop3A_236, %parallel_loop3A_237 : vector<16xf32>
          %parallel_loop3A_239 = arith.constant 640 : i32
          %parallel_loop3A_240 = arith.addi %parallel_loop3A_152, %parallel_loop3A_239 : i32
          %parallel_loop3A_241 = arith.index_cast %parallel_loop3A_240 : i32 to index
          %parallel_loop3A_242 = tpu.vector_load %arg11[%parallel_loop3A_241] {strides = array<i32>} : memref<16384xf32, #tpu.memory_space<vmem>>, vector<16xf32>,
          tpu.vector_store %arg11[%parallel_loop3A_241], %parallel_loop3A_238 {strides = array<i32>} : memref<16384xf32, #tpu.memory_space<vmem>>, vector<16xf32>,
          %parallel_loop3A_243 = arith.constant 768 : i32
          %parallel_loop3A_244 = tpu.memref_slice %arg10[%parallel_loop3A_243] : memref<65536xf32, #tpu.memory_space<vmem>> -> memref<64640xf32, #tpu.memory_space<vmem>>
          %parallel_loop3A_245 = tpu.vector_load_idx %parallel_loop3A_244[%parallel_loop3A_89] : memref<64640xf32, #tpu.memory_space<vmem>>[vector<16xi32>], vector<16xf32>,
          %parallel_loop3A_246 = arith.constant 768 : i32
          %parallel_loop3A_247 = tpu.memref_slice %arg10[%parallel_loop3A_246] : memref<65536xf32, #tpu.memory_space<vmem>> -> memref<64640xf32, #tpu.memory_space<vmem>>
          %parallel_loop3A_248 = tpu.vector_load_idx %parallel_loop3A_247[%parallel_loop3A_92] : memref<64640xf32, #tpu.memory_space<vmem>>[vector<16xi32>], vector<16xf32>,
          %parallel_loop3A_249 = arith.mulf %parallel_loop3A_74, %parallel_loop3A_248 : vector<16xf32>
          %parallel_loop3A_250 = arith.addf %parallel_loop3A_100, %parallel_loop3A_249 : vector<16xf32>
          %parallel_loop3A_251 = arith.mulf %parallel_loop3A_245, %parallel_loop3A_250 : vector<16xf32>
          %parallel_loop3A_252 = arith.mulf %parallel_loop3A_104, %parallel_loop3A_248 : vector<16xf32>
          %parallel_loop3A_253 = arith.addf %parallel_loop3A_251, %parallel_loop3A_252 : vector<16xf32>
          %parallel_loop3A_254 = arith.constant 768 : i32
          %parallel_loop3A_255 = arith.addi %parallel_loop3A_152, %parallel_loop3A_254 : i32
          %parallel_loop3A_256 = arith.index_cast %parallel_loop3A_255 : i32 to index
          %parallel_loop3A_257 = tpu.vector_load %arg11[%parallel_loop3A_256] {strides = array<i32>} : memref<16384xf32, #tpu.memory_space<vmem>>, vector<16xf32>,
          tpu.vector_store %arg11[%parallel_loop3A_256], %parallel_loop3A_253 {strides = array<i32>} : memref<16384xf32, #tpu.memory_space<vmem>>, vector<16xf32>,
          %parallel_loop3A_258 = arith.constant 896 : i32
          %parallel_loop3A_259 = tpu.memref_slice %arg10[%parallel_loop3A_258] : memref<65536xf32, #tpu.memory_space<vmem>> -> memref<64640xf32, #tpu.memory_space<vmem>>
          %parallel_loop3A_260 = tpu.vector_load_idx %parallel_loop3A_259[%parallel_loop3A_89] : memref<64640xf32, #tpu.memory_space<vmem>>[vector<16xi32>], vector<16xf32>,
          %parallel_loop3A_261 = arith.constant 896 : i32
          %parallel_loop3A_262 = tpu.memref_slice %arg10[%parallel_loop3A_261] : memref<65536xf32, #tpu.memory_space<vmem>> -> memref<64640xf32, #tpu.memory_space<vmem>>
          %parallel_loop3A_263 = tpu.vector_load_idx %parallel_loop3A_262[%parallel_loop3A_92] : memref<64640xf32, #tpu.memory_space<vmem>>[vector<16xi32>], vector<16xf32>,
          %parallel_loop3A_264 = arith.mulf %parallel_loop3A_74, %parallel_loop3A_263 : vector<16xf32>
          %parallel_loop3A_265 = arith.addf %parallel_loop3A_100, %parallel_loop3A_264 : vector<16xf32>
          %parallel_loop3A_266 = arith.mulf %parallel_loop3A_260, %parallel_loop3A_265 : vector<16xf32>
          %parallel_loop3A_267 = arith.mulf %parallel_loop3A_104, %parallel_loop3A_263 : vector<16xf32>
          %parallel_loop3A_268 = arith.addf %parallel_loop3A_266, %parallel_loop3A_267 : vector<16xf32>
          %parallel_loop3A_269 = arith.constant 896 : i32
          %parallel_loop3A_270 = arith.addi %parallel_loop3A_152, %parallel_loop3A_269 : i32
          %parallel_loop3A_271 = arith.index_cast %parallel_loop3A_270 : i32 to index
          %parallel_loop3A_272 = tpu.vector_load %arg11[%parallel_loop3A_271] {strides = array<i32>} : memref<16384xf32, #tpu.memory_space<vmem>>, vector<16xf32>,
          tpu.vector_store %arg11[%parallel_loop3A_271], %parallel_loop3A_268 {strides = array<i32>} : memref<16384xf32, #tpu.memory_space<vmem>>, vector<16xf32>,
          %parallel_loop3A_273 = arith.constant 2 : i32
          %parallel_loop3A_274 = arith.muli %parallel_loop3A_58, %parallel_loop3A_273 : i32
          %parallel_loop3A_275 = arith.constant 1 : i32
          %parallel_loop3A_276 = arith.addi %parallel_loop3A_274, %parallel_loop3A_275 : i32
          %parallel_loop3A_277 = arith.constant 16 : i32
          %parallel_loop3A_278 = arith.addi %parallel_loop3A_63, %parallel_loop3A_277 : i32
          %parallel_loop3A_279 = arith.index_cast %parallel_loop3A_278 : i32 to index
          %parallel_loop3A_280 = tpu.vector_load %arg7[%parallel_loop3A_279] {strides = array<i32>} : memref<16384xi32, #tpu.memory_space<vmem>>, vector<16xi32>,
          %parallel_loop3A_281 = arith.constant 65535 : i32
          %parallel_loop3A_282 = vector.broadcast %parallel_loop3A_281 : i32 to vector<16xi32>
          %parallel_loop3A_283 = arith.andi %parallel_loop3A_280, %parallel_loop3A_282 : vector<16xi32>
          %parallel_loop3A_284 = arith.constant 16 : i32
          %parallel_loop3A_285 = vector.broadcast %parallel_loop3A_284 : i32 to vector<16xi32>
          %parallel_loop3A_286 = arith.shrui %parallel_loop3A_280, %parallel_loop3A_285 : vector<16xi32>
          %parallel_loop3A_287 = arith.constant 16 : i32
          %parallel_loop3A_288 = arith.addi %parallel_loop3A_63, %parallel_loop3A_287 : i32
          %parallel_loop3A_289 = arith.index_cast %parallel_loop3A_288 : i32 to index
          %parallel_loop3A_290 = tpu.vector_load %arg8[%parallel_loop3A_289] {strides = array<i32>} : memref<16384xi32, #tpu.memory_space<vmem>>, vector<16xi32>,
          %parallel_loop3A_291 = arith.constant 16 : i32
          %parallel_loop3A_292 = vector.broadcast %parallel_loop3A_291 : i32 to vector<16xi32>
          %parallel_loop3A_293 = arith.shli %parallel_loop3A_290, %parallel_loop3A_292 : vector<16xi32>
          %parallel_loop3A_294 = vector.bitcast %parallel_loop3A_293 : vector<16xi32> to vector<16xf32>
          %parallel_loop3A_295 = arith.constant -65536 : i32
          %parallel_loop3A_296 = vector.broadcast %parallel_loop3A_295 : i32 to vector<16xi32>
          %parallel_loop3A_297 = arith.andi %parallel_loop3A_290, %parallel_loop3A_296 : vector<16xi32>
          %parallel_loop3A_298 = vector.bitcast %parallel_loop3A_297 : vector<16xi32> to vector<16xf32>
          %parallel_loop3A_299 = arith.constant 8192 : i32
          %parallel_loop3A_300 = arith.muli %rem3A_39, %parallel_loop3A_299 : i32
          %parallel_loop3A_301 = arith.constant 8 : i32
          %parallel_loop3A_302 = arith.divsi %parallel_loop3A_276, %parallel_loop3A_301 : i32
          %parallel_loop3A_303 = arith.constant 0 : i32
          %parallel_loop3A_304 = arith.cmpi sgt, %parallel_loop3A_276, %parallel_loop3A_303 : i32
          %parallel_loop3A_305 = arith.extui %parallel_loop3A_304 : i1 to i32
          %parallel_loop3A_306 = arith.constant 0 : i32
          %parallel_loop3A_307 = arith.cmpi slt, %parallel_loop3A_276, %parallel_loop3A_306 : i32
          %parallel_loop3A_308 = arith.extui %parallel_loop3A_307 : i1 to i32
          %parallel_loop3A_309 = arith.subi %parallel_loop3A_305, %parallel_loop3A_308 : i32
          %parallel_loop3A_310 = arith.constant 0 : i32
          %parallel_loop3A_311 = arith.cmpi sgt, %parallel_loop3A_301, %parallel_loop3A_310 : i32
          %parallel_loop3A_312 = arith.extui %parallel_loop3A_311 : i1 to i32
          %parallel_loop3A_313 = arith.constant 0 : i32
          %parallel_loop3A_314 = arith.cmpi slt, %parallel_loop3A_301, %parallel_loop3A_313 : i32
          %parallel_loop3A_315 = arith.extui %parallel_loop3A_314 : i1 to i32
          %parallel_loop3A_316 = arith.subi %parallel_loop3A_312, %parallel_loop3A_315 : i32
          %parallel_loop3A_317 = arith.cmpi ne, %parallel_loop3A_309, %parallel_loop3A_316 : i32
          %parallel_loop3A_318 = arith.remsi %parallel_loop3A_276, %parallel_loop3A_301 : i32
          %parallel_loop3A_319 = arith.constant 0 : i32
          %parallel_loop3A_320 = arith.cmpi ne, %parallel_loop3A_318, %parallel_loop3A_319 : i32
          %parallel_loop3A_321 = arith.andi %parallel_loop3A_317, %parallel_loop3A_320 : i1
          %parallel_loop3A_322 = arith.constant 1 : i32
          %parallel_loop3A_323 = arith.subi %parallel_loop3A_302, %parallel_loop3A_322 : i32
          %parallel_loop3A_324 = arith.select %parallel_loop3A_321, %parallel_loop3A_323, %parallel_loop3A_302 : i32
          %parallel_loop3A_325 = arith.constant 1024 : i32
          %parallel_loop3A_326 = arith.muli %parallel_loop3A_324, %parallel_loop3A_325 : i32
          %parallel_loop3A_327 = arith.addi %parallel_loop3A_300, %parallel_loop3A_326 : i32
          %parallel_loop3A_328 = arith.constant 8 : i32
          %parallel_loop3A_329 = arith.constant 0 : i32
          %parallel_loop3A_330 = arith.cmpi eq, %parallel_loop3A_328, %parallel_loop3A_329 : i32
          %parallel_loop3A_331 = arith.constant 1 : i32
          %parallel_loop3A_332 = arith.select %parallel_loop3A_330, %parallel_loop3A_331, %parallel_loop3A_328 : i32
          %parallel_loop3A_333 = arith.remsi %parallel_loop3A_276, %parallel_loop3A_332 : i32
          %parallel_loop3A_334 = arith.constant 0 : i32
          %parallel_loop3A_335 = arith.cmpi ne, %parallel_loop3A_333, %parallel_loop3A_334 : i32
          %parallel_loop3A_336 = arith.constant 0 : i32
          %parallel_loop3A_337 = arith.cmpi slt, %parallel_loop3A_333, %parallel_loop3A_336 : i32
          %parallel_loop3A_338 = arith.constant 0 : i32
          %parallel_loop3A_339 = arith.cmpi slt, %parallel_loop3A_332, %parallel_loop3A_338 : i32
          %parallel_loop3A_340 = arith.xori %parallel_loop3A_337, %parallel_loop3A_339 : i1
          %parallel_loop3A_341 = arith.andi %parallel_loop3A_340, %parallel_loop3A_335 : i1
          %parallel_loop3A_342 = arith.addi %parallel_loop3A_333, %parallel_loop3A_332 : i32
          %parallel_loop3A_343 = arith.select %parallel_loop3A_341, %parallel_loop3A_342, %parallel_loop3A_333 : i32
          %parallel_loop3A_344 = arith.constant 16 : i32
          %parallel_loop3A_345 = arith.muli %parallel_loop3A_343, %parallel_loop3A_344 : i32
          %parallel_loop3A_346 = arith.addi %parallel_loop3A_327, %parallel_loop3A_345 : i32
          %parallel_loop3A_347 = arith.constant 0 : i32
          %parallel_loop3A_348 = tpu.memref_slice %arg10[%parallel_loop3A_347] : memref<65536xf32, #tpu.memory_space<vmem>> -> memref<64640xf32, #tpu.memory_space<vmem>>
          %parallel_loop3A_349 = tpu.vector_load_idx %parallel_loop3A_348[%parallel_loop3A_283] : memref<64640xf32, #tpu.memory_space<vmem>>[vector<16xi32>], vector<16xf32>,
          %parallel_loop3A_350 = arith.constant 0 : i32
          %parallel_loop3A_351 = tpu.memref_slice %arg10[%parallel_loop3A_350] : memref<65536xf32, #tpu.memory_space<vmem>> -> memref<64640xf32, #tpu.memory_space<vmem>>
          %parallel_loop3A_352 = tpu.vector_load_idx %parallel_loop3A_351[%parallel_loop3A_286] : memref<64640xf32, #tpu.memory_space<vmem>>[vector<16xi32>], vector<16xf32>,
          %parallel_loop3A_353 = arith.mulf %parallel_loop3A_78, %parallel_loop3A_352 : vector<16xf32>
          %parallel_loop3A_354 = arith.addf %parallel_loop3A_294, %parallel_loop3A_353 : vector<16xf32>
          %parallel_loop3A_355 = arith.mulf %parallel_loop3A_349, %parallel_loop3A_354 : vector<16xf32>
          %parallel_loop3A_356 = arith.mulf %parallel_loop3A_298, %parallel_loop3A_352 : vector<16xf32>
          %parallel_loop3A_357 = arith.addf %parallel_loop3A_355, %parallel_loop3A_356 : vector<16xf32>
          %parallel_loop3A_358 = arith.constant 0 : i32
          %parallel_loop3A_359 = arith.addi %parallel_loop3A_346, %parallel_loop3A_358 : i32
          %parallel_loop3A_360 = arith.index_cast %parallel_loop3A_359 : i32 to index
          %parallel_loop3A_361 = tpu.vector_load %arg11[%parallel_loop3A_360] {strides = array<i32>} : memref<16384xf32, #tpu.memory_space<vmem>>, vector<16xf32>,
          tpu.vector_store %arg11[%parallel_loop3A_360], %parallel_loop3A_357 {strides = array<i32>} : memref<16384xf32, #tpu.memory_space<vmem>>, vector<16xf32>,
          %parallel_loop3A_362 = arith.constant 128 : i32
          %parallel_loop3A_363 = tpu.memref_slice %arg10[%parallel_loop3A_362] : memref<65536xf32, #tpu.memory_space<vmem>> -> memref<64640xf32, #tpu.memory_space<vmem>>
          %parallel_loop3A_364 = tpu.vector_load_idx %parallel_loop3A_363[%parallel_loop3A_283] : memref<64640xf32, #tpu.memory_space<vmem>>[vector<16xi32>], vector<16xf32>,
          %parallel_loop3A_365 = arith.constant 128 : i32
          %parallel_loop3A_366 = tpu.memref_slice %arg10[%parallel_loop3A_365] : memref<65536xf32, #tpu.memory_space<vmem>> -> memref<64640xf32, #tpu.memory_space<vmem>>
          %parallel_loop3A_367 = tpu.vector_load_idx %parallel_loop3A_366[%parallel_loop3A_286] : memref<64640xf32, #tpu.memory_space<vmem>>[vector<16xi32>], vector<16xf32>,
          %parallel_loop3A_368 = arith.mulf %parallel_loop3A_78, %parallel_loop3A_367 : vector<16xf32>
          %parallel_loop3A_369 = arith.addf %parallel_loop3A_294, %parallel_loop3A_368 : vector<16xf32>
          %parallel_loop3A_370 = arith.mulf %parallel_loop3A_364, %parallel_loop3A_369 : vector<16xf32>
          %parallel_loop3A_371 = arith.mulf %parallel_loop3A_298, %parallel_loop3A_367 : vector<16xf32>
          %parallel_loop3A_372 = arith.addf %parallel_loop3A_370, %parallel_loop3A_371 : vector<16xf32>
          %parallel_loop3A_373 = arith.constant 128 : i32
          %parallel_loop3A_374 = arith.addi %parallel_loop3A_346, %parallel_loop3A_373 : i32
          %parallel_loop3A_375 = arith.index_cast %parallel_loop3A_374 : i32 to index
          %parallel_loop3A_376 = tpu.vector_load %arg11[%parallel_loop3A_375] {strides = array<i32>} : memref<16384xf32, #tpu.memory_space<vmem>>, vector<16xf32>,
          tpu.vector_store %arg11[%parallel_loop3A_375], %parallel_loop3A_372 {strides = array<i32>} : memref<16384xf32, #tpu.memory_space<vmem>>, vector<16xf32>,
          %parallel_loop3A_377 = arith.constant 256 : i32
          %parallel_loop3A_378 = tpu.memref_slice %arg10[%parallel_loop3A_377] : memref<65536xf32, #tpu.memory_space<vmem>> -> memref<64640xf32, #tpu.memory_space<vmem>>
          %parallel_loop3A_379 = tpu.vector_load_idx %parallel_loop3A_378[%parallel_loop3A_283] : memref<64640xf32, #tpu.memory_space<vmem>>[vector<16xi32>], vector<16xf32>,
          %parallel_loop3A_380 = arith.constant 256 : i32
          %parallel_loop3A_381 = tpu.memref_slice %arg10[%parallel_loop3A_380] : memref<65536xf32, #tpu.memory_space<vmem>> -> memref<64640xf32, #tpu.memory_space<vmem>>
          %parallel_loop3A_382 = tpu.vector_load_idx %parallel_loop3A_381[%parallel_loop3A_286] : memref<64640xf32, #tpu.memory_space<vmem>>[vector<16xi32>], vector<16xf32>,
          %parallel_loop3A_383 = arith.mulf %parallel_loop3A_78, %parallel_loop3A_382 : vector<16xf32>
          %parallel_loop3A_384 = arith.addf %parallel_loop3A_294, %parallel_loop3A_383 : vector<16xf32>
          %parallel_loop3A_385 = arith.mulf %parallel_loop3A_379, %parallel_loop3A_384 : vector<16xf32>
          %parallel_loop3A_386 = arith.mulf %parallel_loop3A_298, %parallel_loop3A_382 : vector<16xf32>
          %parallel_loop3A_387 = arith.addf %parallel_loop3A_385, %parallel_loop3A_386 : vector<16xf32>
          %parallel_loop3A_388 = arith.constant 256 : i32
          %parallel_loop3A_389 = arith.addi %parallel_loop3A_346, %parallel_loop3A_388 : i32
          %parallel_loop3A_390 = arith.index_cast %parallel_loop3A_389 : i32 to index
          %parallel_loop3A_391 = tpu.vector_load %arg11[%parallel_loop3A_390] {strides = array<i32>} : memref<16384xf32, #tpu.memory_space<vmem>>, vector<16xf32>,
          tpu.vector_store %arg11[%parallel_loop3A_390], %parallel_loop3A_387 {strides = array<i32>} : memref<16384xf32, #tpu.memory_space<vmem>>, vector<16xf32>,
          %parallel_loop3A_392 = arith.constant 384 : i32
          %parallel_loop3A_393 = tpu.memref_slice %arg10[%parallel_loop3A_392] : memref<65536xf32, #tpu.memory_space<vmem>> -> memref<64640xf32, #tpu.memory_space<vmem>>
          %parallel_loop3A_394 = tpu.vector_load_idx %parallel_loop3A_393[%parallel_loop3A_283] : memref<64640xf32, #tpu.memory_space<vmem>>[vector<16xi32>], vector<16xf32>,
          %parallel_loop3A_395 = arith.constant 384 : i32
          %parallel_loop3A_396 = tpu.memref_slice %arg10[%parallel_loop3A_395] : memref<65536xf32, #tpu.memory_space<vmem>> -> memref<64640xf32, #tpu.memory_space<vmem>>
          %parallel_loop3A_397 = tpu.vector_load_idx %parallel_loop3A_396[%parallel_loop3A_286] : memref<64640xf32, #tpu.memory_space<vmem>>[vector<16xi32>], vector<16xf32>,
          %parallel_loop3A_398 = arith.mulf %parallel_loop3A_78, %parallel_loop3A_397 : vector<16xf32>
          %parallel_loop3A_399 = arith.addf %parallel_loop3A_294, %parallel_loop3A_398 : vector<16xf32>
          %parallel_loop3A_400 = arith.mulf %parallel_loop3A_394, %parallel_loop3A_399 : vector<16xf32>
          %parallel_loop3A_401 = arith.mulf %parallel_loop3A_298, %parallel_loop3A_397 : vector<16xf32>
          %parallel_loop3A_402 = arith.addf %parallel_loop3A_400, %parallel_loop3A_401 : vector<16xf32>
          %parallel_loop3A_403 = arith.constant 384 : i32
          %parallel_loop3A_404 = arith.addi %parallel_loop3A_346, %parallel_loop3A_403 : i32
          %parallel_loop3A_405 = arith.index_cast %parallel_loop3A_404 : i32 to index
          %parallel_loop3A_406 = tpu.vector_load %arg11[%parallel_loop3A_405] {strides = array<i32>} : memref<16384xf32, #tpu.memory_space<vmem>>, vector<16xf32>,
          tpu.vector_store %arg11[%parallel_loop3A_405], %parallel_loop3A_402 {strides = array<i32>} : memref<16384xf32, #tpu.memory_space<vmem>>, vector<16xf32>,
          %parallel_loop3A_407 = arith.constant 512 : i32
          %parallel_loop3A_408 = tpu.memref_slice %arg10[%parallel_loop3A_407] : memref<65536xf32, #tpu.memory_space<vmem>> -> memref<64640xf32, #tpu.memory_space<vmem>>
          %parallel_loop3A_409 = tpu.vector_load_idx %parallel_loop3A_408[%parallel_loop3A_283] : memref<64640xf32, #tpu.memory_space<vmem>>[vector<16xi32>], vector<16xf32>,
          %parallel_loop3A_410 = arith.constant 512 : i32
          %parallel_loop3A_411 = tpu.memref_slice %arg10[%parallel_loop3A_410] : memref<65536xf32, #tpu.memory_space<vmem>> -> memref<64640xf32, #tpu.memory_space<vmem>>
          %parallel_loop3A_412 = tpu.vector_load_idx %parallel_loop3A_411[%parallel_loop3A_286] : memref<64640xf32, #tpu.memory_space<vmem>>[vector<16xi32>], vector<16xf32>,
          %parallel_loop3A_413 = arith.mulf %parallel_loop3A_78, %parallel_loop3A_412 : vector<16xf32>
          %parallel_loop3A_414 = arith.addf %parallel_loop3A_294, %parallel_loop3A_413 : vector<16xf32>
          %parallel_loop3A_415 = arith.mulf %parallel_loop3A_409, %parallel_loop3A_414 : vector<16xf32>
          %parallel_loop3A_416 = arith.mulf %parallel_loop3A_298, %parallel_loop3A_412 : vector<16xf32>
          %parallel_loop3A_417 = arith.addf %parallel_loop3A_415, %parallel_loop3A_416 : vector<16xf32>
          %parallel_loop3A_418 = arith.constant 512 : i32
          %parallel_loop3A_419 = arith.addi %parallel_loop3A_346, %parallel_loop3A_418 : i32
          %parallel_loop3A_420 = arith.index_cast %parallel_loop3A_419 : i32 to index
          %parallel_loop3A_421 = tpu.vector_load %arg11[%parallel_loop3A_420] {strides = array<i32>} : memref<16384xf32, #tpu.memory_space<vmem>>, vector<16xf32>,
          tpu.vector_store %arg11[%parallel_loop3A_420], %parallel_loop3A_417 {strides = array<i32>} : memref<16384xf32, #tpu.memory_space<vmem>>, vector<16xf32>,
          %parallel_loop3A_422 = arith.constant 640 : i32
          %parallel_loop3A_423 = tpu.memref_slice %arg10[%parallel_loop3A_422] : memref<65536xf32, #tpu.memory_space<vmem>> -> memref<64640xf32, #tpu.memory_space<vmem>>
          %parallel_loop3A_424 = tpu.vector_load_idx %parallel_loop3A_423[%parallel_loop3A_283] : memref<64640xf32, #tpu.memory_space<vmem>>[vector<16xi32>], vector<16xf32>,
          %parallel_loop3A_425 = arith.constant 640 : i32
          %parallel_loop3A_426 = tpu.memref_slice %arg10[%parallel_loop3A_425] : memref<65536xf32, #tpu.memory_space<vmem>> -> memref<64640xf32, #tpu.memory_space<vmem>>
          %parallel_loop3A_427 = tpu.vector_load_idx %parallel_loop3A_426[%parallel_loop3A_286] : memref<64640xf32, #tpu.memory_space<vmem>>[vector<16xi32>], vector<16xf32>,
          %parallel_loop3A_428 = arith.mulf %parallel_loop3A_78, %parallel_loop3A_427 : vector<16xf32>
          %parallel_loop3A_429 = arith.addf %parallel_loop3A_294, %parallel_loop3A_428 : vector<16xf32>
          %parallel_loop3A_430 = arith.mulf %parallel_loop3A_424, %parallel_loop3A_429 : vector<16xf32>
          %parallel_loop3A_431 = arith.mulf %parallel_loop3A_298, %parallel_loop3A_427 : vector<16xf32>
          %parallel_loop3A_432 = arith.addf %parallel_loop3A_430, %parallel_loop3A_431 : vector<16xf32>
          %parallel_loop3A_433 = arith.constant 640 : i32
          %parallel_loop3A_434 = arith.addi %parallel_loop3A_346, %parallel_loop3A_433 : i32
          %parallel_loop3A_435 = arith.index_cast %parallel_loop3A_434 : i32 to index
          %parallel_loop3A_436 = tpu.vector_load %arg11[%parallel_loop3A_435] {strides = array<i32>} : memref<16384xf32, #tpu.memory_space<vmem>>, vector<16xf32>,
          tpu.vector_store %arg11[%parallel_loop3A_435], %parallel_loop3A_432 {strides = array<i32>} : memref<16384xf32, #tpu.memory_space<vmem>>, vector<16xf32>,
          %parallel_loop3A_437 = arith.constant 768 : i32
          %parallel_loop3A_438 = tpu.memref_slice %arg10[%parallel_loop3A_437] : memref<65536xf32, #tpu.memory_space<vmem>> -> memref<64640xf32, #tpu.memory_space<vmem>>
          %parallel_loop3A_439 = tpu.vector_load_idx %parallel_loop3A_438[%parallel_loop3A_283] : memref<64640xf32, #tpu.memory_space<vmem>>[vector<16xi32>], vector<16xf32>,
          %parallel_loop3A_440 = arith.constant 768 : i32
          %parallel_loop3A_441 = tpu.memref_slice %arg10[%parallel_loop3A_440] : memref<65536xf32, #tpu.memory_space<vmem>> -> memref<64640xf32, #tpu.memory_space<vmem>>
          %parallel_loop3A_442 = tpu.vector_load_idx %parallel_loop3A_441[%parallel_loop3A_286] : memref<64640xf32, #tpu.memory_space<vmem>>[vector<16xi32>], vector<16xf32>,
          %parallel_loop3A_443 = arith.mulf %parallel_loop3A_78, %parallel_loop3A_442 : vector<16xf32>
          %parallel_loop3A_444 = arith.addf %parallel_loop3A_294, %parallel_loop3A_443 : vector<16xf32>
          %parallel_loop3A_445 = arith.mulf %parallel_loop3A_439, %parallel_loop3A_444 : vector<16xf32>
          %parallel_loop3A_446 = arith.mulf %parallel_loop3A_298, %parallel_loop3A_442 : vector<16xf32>
          %parallel_loop3A_447 = arith.addf %parallel_loop3A_445, %parallel_loop3A_446 : vector<16xf32>
          %parallel_loop3A_448 = arith.constant 768 : i32
          %parallel_loop3A_449 = arith.addi %parallel_loop3A_346, %parallel_loop3A_448 : i32
          %parallel_loop3A_450 = arith.index_cast %parallel_loop3A_449 : i32 to index
          %parallel_loop3A_451 = tpu.vector_load %arg11[%parallel_loop3A_450] {strides = array<i32>} : memref<16384xf32, #tpu.memory_space<vmem>>, vector<16xf32>,
          tpu.vector_store %arg11[%parallel_loop3A_450], %parallel_loop3A_447 {strides = array<i32>} : memref<16384xf32, #tpu.memory_space<vmem>>, vector<16xf32>,
          %parallel_loop3A_452 = arith.constant 896 : i32
          %parallel_loop3A_453 = tpu.memref_slice %arg10[%parallel_loop3A_452] : memref<65536xf32, #tpu.memory_space<vmem>> -> memref<64640xf32, #tpu.memory_space<vmem>>
          %parallel_loop3A_454 = tpu.vector_load_idx %parallel_loop3A_453[%parallel_loop3A_283] : memref<64640xf32, #tpu.memory_space<vmem>>[vector<16xi32>], vector<16xf32>,
          %parallel_loop3A_455 = arith.constant 896 : i32
          %parallel_loop3A_456 = tpu.memref_slice %arg10[%parallel_loop3A_455] : memref<65536xf32, #tpu.memory_space<vmem>> -> memref<64640xf32, #tpu.memory_space<vmem>>
          %parallel_loop3A_457 = tpu.vector_load_idx %parallel_loop3A_456[%parallel_loop3A_286] : memref<64640xf32, #tpu.memory_space<vmem>>[vector<16xi32>], vector<16xf32>,
          %parallel_loop3A_458 = arith.mulf %parallel_loop3A_78, %parallel_loop3A_457 : vector<16xf32>
          %parallel_loop3A_459 = arith.addf %parallel_loop3A_294, %parallel_loop3A_458 : vector<16xf32>
          %parallel_loop3A_460 = arith.mulf %parallel_loop3A_454, %parallel_loop3A_459 : vector<16xf32>
          %parallel_loop3A_461 = arith.mulf %parallel_loop3A_298, %parallel_loop3A_457 : vector<16xf32>
          %parallel_loop3A_462 = arith.addf %parallel_loop3A_460, %parallel_loop3A_461 : vector<16xf32>
          %parallel_loop3A_463 = arith.constant 896 : i32
          %parallel_loop3A_464 = arith.addi %parallel_loop3A_346, %parallel_loop3A_463 : i32
          %parallel_loop3A_465 = arith.index_cast %parallel_loop3A_464 : i32 to index
          %parallel_loop3A_466 = tpu.vector_load %arg11[%parallel_loop3A_465] {strides = array<i32>} : memref<16384xf32, #tpu.memory_space<vmem>>, vector<16xf32>,
          tpu.vector_store %arg11[%parallel_loop3A_465], %parallel_loop3A_462 {strides = array<i32>} : memref<16384xf32, #tpu.memory_space<vmem>>, vector<16xf32>,
        } {sc.loop_unroll_factor = 1 : i64, sc.parallel_access}
        %mul3A_47 = arith.constant 8192 : i32
        %mul3A_48 = arith.muli %rem3A_39, %mul3A_47 : i32
        %mul3A_49 = arith.constant 131072 : i32
        %mul3A_50 = arith.muli %add3A_26, %mul3A_49 : i32
        %mul3A_51 = arith.constant 8192 : i32
        %mul3A_52 = arith.muli %scan3A_37, %mul3A_51 : i32
        %add3A_53 = arith.addi %mul3A_50, %mul3A_52 : i32
        %dma_start3A = tpu.memref_slice %arg11[%mul3A_48] : memref<16384xf32, #tpu.memory_space<vmem>> -> memref<8192xf32, #tpu.memory_space<vmem>>
        %dma_start3A_54 = tpu.memref_slice %arg6[%add3A_53] : memref<67108864xf32, #tpu.memory_space<hbm>> -> memref<8192xf32, #tpu.memory_space<hbm>>
        %dma_start3A_55 = tpu.memref_slice %arg6[%add3A_53] : memref<67108864xf32, #tpu.memory_space<hbm>> -> memref<8192xf32, #tpu.memory_space<hbm>>
        %dma_start3A_56 = tpu.memref_slice %arg11[%mul3A_48] : memref<16384xf32, #tpu.memory_space<vmem>> -> memref<8192xf32, #tpu.memory_space<vmem>>
        tpu.enqueue_dma source(%dma_start3A_56 : memref<8192xf32, #tpu.memory_space<vmem>>) target(%dma_start3A_55 : memref<8192xf32, #tpu.memory_space<hbm>>) target_semaphore(%arg12 : memref<!tpu.dma_semaphore, #tpu.memory_space<semaphore_mem>>)
        %scan3A_57 = arith.constant 0 : i32
        scf.yield %scan3A_57 : i32
      }
      %scan3A_35 = arith.constant 16 : i32
      %scan3A_36 = arith.constant 0 : i32
      scf.yield %scan3A_36 : i32
    }
    %scan3A_6 = arith.constant 16 : i32
    %dma_wait3A = arith.constant 0 : i32
    %dma_wait3A_7 = tpu.memref_slice %arg11[%dma_wait3A] : memref<16384xf32, #tpu.memory_space<vmem>> -> memref<8192xf32, #tpu.memory_space<vmem>>
    %dma_wait3A_8 = arith.constant 0 : i32
    %dma_wait3A_9 = tpu.memref_slice %arg6[%dma_wait3A_8] : memref<67108864xf32, #tpu.memory_space<hbm>> -> memref<8192xf32, #tpu.memory_space<hbm>>
    %dma_wait3A_10 = arith.constant 0 : i32
    %dma_wait3A_11 = tpu.memref_slice %arg6[%dma_wait3A_10] : memref<67108864xf32, #tpu.memory_space<hbm>> -> memref<8192xf32, #tpu.memory_space<hbm>>
    %dma_wait3A_12 = arith.constant 0 : i32
    %dma_wait3A_13 = tpu.memref_slice %arg11[%dma_wait3A_12] : memref<16384xf32, #tpu.memory_space<vmem>> -> memref<8192xf32, #tpu.memory_space<vmem>>
    tpu.wait_dma2 semaphore(%arg12 : memref<!tpu.dma_semaphore, #tpu.memory_space<semaphore_mem>>) src(%dma_wait3A_13 : memref<8192xf32, #tpu.memory_space<vmem>>) dst(%dma_wait3A_11 : memref<8192xf32, #tpu.memory_space<hbm>>)
    %dma_wait3A_14 = arith.constant 0 : i32
    %dma_wait3A_15 = tpu.memref_slice %arg11[%dma_wait3A_14] : memref<16384xf32, #tpu.memory_space<vmem>> -> memref<8192xf32, #tpu.memory_space<vmem>>
    %dma_wait3A_16 = arith.constant 0 : i32
    %dma_wait3A_17 = tpu.memref_slice %arg6[%dma_wait3A_16] : memref<67108864xf32, #tpu.memory_space<hbm>> -> memref<8192xf32, #tpu.memory_space<hbm>>
    %dma_wait3A_18 = arith.constant 0 : i32
    %dma_wait3A_19 = tpu.memref_slice %arg6[%dma_wait3A_18] : memref<67108864xf32, #tpu.memory_space<hbm>> -> memref<8192xf32, #tpu.memory_space<hbm>>
    %dma_wait3A_20 = arith.constant 0 : i32
    %dma_wait3A_21 = tpu.memref_slice %arg11[%dma_wait3A_20] : memref<16384xf32, #tpu.memory_space<vmem>> -> memref<8192xf32, #tpu.memory_space<vmem>>
    tpu.wait_dma2 semaphore(%arg12 : memref<!tpu.dma_semaphore, #tpu.memory_space<semaphore_mem>>) src(%dma_wait3A_21 : memref<8192xf32, #tpu.memory_space<vmem>>) dst(%dma_wait3A_19 : memref<8192xf32, #tpu.memory_space<hbm>>)
    return
  }
}

</mosaic_0001>

<sc_bundles>
// kernel: kernel.3.cloned.1.call-start
scs
__scs_entry_jumppad:
0x0: {  	(pc) =	sbr.rel $0x88, $3  }
0x1: {  	(tag) =	ssettag $0x0;
	lr =	simm.s32 $0x1  }
0x2: {  	[smem:$0x3F9D] =	sst lr;
	_ =	strace $0xD0000000  }
0x3: {  	_ = 	snop  }
0x4: {  	_ = 	snop  }
0x5: {  	_ = 	snop  }
0x6: {  	_ = 	snop  }
0x7: {  	_ = 	snop  }
__scs_overlays_trampoline_lowered:
0x8: {  	[smem:$0x3FAC] =	sst s0  }
0x9: {  	[smem:$0x3FAD] =	sst s1  }
0xa: {  	[smem:$0x3FAE] =	sst s2  }
0xb: {  	[smem:$0x3FAF] =	sst s3  }
0xc: {  	[smem:$0x3FB0] =	sst s4  }
0xd: {  	[smem:$0x3FB1] =	sst s5  }
0xe: {  	[smem:$0x3FB2] =	sst s6  }
0xf: {  	[smem:$0x3FB3] =	sst s7  }
0x10: {  	[smem:$0x3FB4] =	sst s8  }
0x11: {  	[smem:$0x3FB5] =	sst s9;
	s0 =	simm.s32 @!p0 $0x0  }
0x12: {  	s1 =	sld [smem:$0x3F9B];
	s0 =	simm.s32 @p0 $0x1  }
0x13: {  	[smem:$0x3FB6] =	sst s0;
	s0 =	simm.s32 @!p1 $0x0  }
0x14: {  	s2 =	sld [smem:$0x3F9A];
	s0 =	simm.s32 @p1 $0x1  }
0x15: {  	[smem:$0x3FB7] =	sst s0;
	s0 =	simm.s32 @!p2 $0x0  }
0x16: {  	s3 =	sld [smem:$0x3FDB];
	s0 =	simm.s32 @p2 $0x1  }
0x17: {  	s4 =	simm.s32 $0x1BF5;
	[smem:$0x3FB9] =	sst s0  }
0x18: {  	s0 =	sld [smem:$0x3F9C];
	_ =	swait.ge [sflag:s4], $0x0  }
0x19: {  	s7 =	sld [smem:$0x3F9D]  }
0x1a: {  	s8 =	sadd.s32 $0xFFFFE003, lr  }
0x1b: {  	s9 =	sadd.s32 $0xFFFFFEF7, lr;
	s5 =	simm.s32 $0xFFFFFFFF;
	p2 =	slt.u32 s8, $0xFFFFF086  }
0x1c: {  	p1 =	slt.u32 s9, $0xF7A;
	s5 =	simm.s32 @!p2 $0x0  }
0x1d: {  	s5 =	simm.s32 @p1 $0x1;
	p0 =	seq.s32 s7, s2  }
0x1e: {  	s7 =	smul.u32 @!p0 $0xF7A, s2;
	p2 =	seq.s32 @!p0 s5, $0x0  }
0x1f: {  	s9 =	smul.u32 $0xF7A, s1;
	s8 =	simm.s32 @!p0 $0x1BF5;
	p2 =	por !p2, p0  }
0x20: {  	[sflag:s8] =	ssyncset.s32 @!p0 $0xFFFFF086;
	s6 =	sadd.s32 @!p0 s3, s7;
	s7 =	simm.s32 @!p0 $0x108  }
0x21: {  	s3 =	sadd.s32 s3, s9;
	s6 =	sadd.s32 @!p0 $0x88, s6;
	s7 =	simm.s32 @p2 $0x1082  }
0x22: {  	[simem:s7], [sflag:s8] =	dma.local @!p0 [hbm:s6], $0xF7A  }
0x23: {  	s9 =	sor.u32 $0xD0000000, s2;
	s6 =	simm.s32 $0x108;
	_ =	swait.ge @!p0 [sflag:s8], $0x0  }
0x24: {  	s3 =	sadd.s32 $0x88, s3;
	s6 =	simm.s32 @!p1 $0x1082;
	[sflag:s4] =	ssyncset.s32 $0xFFFFF086  }
0x25: {  	[simem:s6], [sflag:s4] =	dma.local [hbm:s3], $0xF7A  }
0x26: {  	[smem:$0x3F9D] =	sst s1;
	(tag) =	ssettag s2;
	_ =	strace s9  }
0x27: {  	s1 =	sld [smem:$0x3FAD]  }
0x28: {  	s2 =	sld [smem:$0x3FAE]  }
0x29: {  	s4 =	sld [smem:$0x3FB0]  }
0x2a: {  	p0 =	seq.s32 s5, $0x0;
	s5 =	sld [smem:$0x3FB1]  }
0x2b: {  	s6 =	sld [smem:$0x3FB2]  }
0x2c: {  	s7 =	sld [smem:$0x3FB3]  }
0x2d: {  	s3 =	simm.s32 $0x108;
	s8 =	sld [smem:$0x3FB4]  }
0x2e: {  	s3 =	simm.s32 @!p0 $0x1082;
	s9 =	sld [smem:$0x3FB5]  }
0x2f: {  	lr =	sadd.s32 s0, s3;
	s0 =	sld [smem:$0x3FAC]  }
0x30: {  	s3 =	sld [smem:$0x3FAF]  }
0x31: {  	[smem:$0x3FB8] =	sst s10  }
0x32: {  	s10 =	sld [smem:$0x3FB6];
	_ =	sdelay $0x3  }
0x33: {  	p0 =	seq.s32 s10, $0x1;
	s10 =	sld [smem:$0x3FB8];
	_ =	sdelay $0x3  }
0x34: {  	[smem:$0x3FB8] =	sst s10  }
0x35: {  	s10 =	sld [smem:$0x3FB7];
	_ =	sdelay $0x3  }
0x36: {  	p1 =	seq.s32 s10, $0x1;
	s10 =	sld [smem:$0x3FB8];
	_ =	sdelay $0x3  }
0x37: {  	[smem:$0x3FB8] =	sst s10  }
0x38: {  	s10 =	sld [smem:$0x3FB9]  }
0x39: {  	_ = 	snop;
	(pc) =	sbr.ind lr, $3  }
0x3a: {  	_ = 	snop  }
0x3b: {  	_ = 	snop  }
0x3c: {  	p2 =	seq.s32 s10, $0x1;
	s10 =	sld [smem:$0x3FB8]  }
0x3d: {  	_ =	shalt  }
0x3e: {  	_ =	shalt  }
0x3f: {  	_ =	shalt  }
0x40: {  	_ =	shalt  }
0x41: {  	_ =	shalt  }
0x42: {  	_ =	shalt  }
0x43: {  	_ =	shalt  }
0x44: {  	_ =	shalt  }
0x45: {  	_ =	shalt  }
0x46: {  	_ =	shalt  }
0x47: {  	_ =	shalt  }
0x48: {  	_ =	shalt  }
0x49: {  	_ =	shalt  }
0x4a: {  	_ =	shalt  }
0x4b: {  	_ =	shalt  }
0x4c: {  	_ =	shalt  }
0x4d: {  	_ =	shalt  }
0x4e: {  	_ =	shalt  }
0x4f: {  	_ =	shalt  }
0x50: {  	_ =	shalt  }
0x51: {  	_ =	shalt  }
0x52: {  	_ =	shalt  }
0x53: {  	_ =	shalt  }
0x54: {  	_ =	shalt  }
0x55: {  	_ =	shalt  }
0x56: {  	_ =	shalt  }
0x57: {  	_ =	shalt  }
0x58: {  	_ =	shalt  }
0x59: {  	_ =	shalt  }
0x5a: {  	_ =	shalt  }
0x5b: {  	_ =	shalt  }
0x5c: {  	_ =	shalt  }
0x5d: {  	_ =	shalt  }
0x5e: {  	_ =	shalt  }
0x5f: {  	_ =	shalt  }
0x60: {  	_ =	shalt  }
0x61: {  	_ =	shalt  }
0x62: {  	_ =	shalt  }
0x63: {  	_ =	shalt  }
0x64: {  	_ =	shalt  }
0x65: {  	_ =	shalt  }
0x66: {  	_ =	shalt  }
0x67: {  	_ =	shalt  }
0x68: {  	_ =	shalt  }
0x69: {  	_ =	shalt  }
0x6a: {  	_ =	shalt  }
0x6b: {  	_ =	shalt  }
0x6c: {  	_ =	shalt  }
0x6d: {  	_ =	shalt  }
0x6e: {  	_ =	shalt  }
0x6f: {  	_ =	shalt  }
0x70: {  	_ =	shalt  }
0x71: {  	_ =	shalt  }
0x72: {  	_ =	shalt  }
0x73: {  	_ =	shalt  }
0x74: {  	_ =	shalt  }
0x75: {  	_ =	shalt  }
0x76: {  	_ =	shalt  }
0x77: {  	_ =	shalt  }
0x78: {  	_ =	shalt  }
0x79: {  	_ =	shalt  }
0x7a: {  	_ =	shalt  }
0x7b: {  	_ =	shalt  }
0x7c: {  	_ =	shalt  }
0x7d: {  	_ =	shalt  }
0x7e: {  	_ =	shalt  }
0x7f: {  	_ =	shalt  }
0x80: {  	_ =	shalt  }
0x81: {  	_ =	shalt  }
0x82: {  	_ =	shalt  }
0x83: {  	_ =	shalt  }
0x84: {  	_ =	shalt  }
0x85: {  	_ =	shalt  }
0x86: {  	_ =	shalt  }
0x87: {  	_ =	shalt  }
.Lfunc_end0:
.L_simem_size_0:
called_computation_lowered:
.L_overlay_start_0:
0x88: {  	s2 =	sld [smem:$0x3FD9]  }
0x89: {  	s3 =	sld [smem:$0x3FFE];
	_ =	sdelay $0x1  }
0x8a: {  	s1 =	srdreg.scid  }
0x8b: {  	s0 =	sand.u32 $0x1, s1  }
0x8c: {  	s17 =	sshll.u32 s0, $0xA;
	s2 =	sadd.s32 s3, s2  }
0x8d: {  	s2 =	sadd.s32 s2, s17  }
0x8e: {  	[smem:$0x3FC4] =	sst s2  }
0x8f: {  	_ = 	snop  }
0x90: {  	s2 =	sld [smem:$0x3FC9]  }
0x91: {  	s18 =	sld [smem:$0x3FD0];
	(tm) =	ssettm $0x1  }
0x92: {  	s4 =	sld [smem:$0x3FFB];
	_ =	sdelay $0x3  }
0x93: {  	_ =	strace s4  }
0x94: {  	s4 =	sld [smem:$0x3FFC];
	_ =	sdelay $0x3  }
0x95: {  	_ =	strace s4  }
0x96: {  	s4 =	sld [smem:$0x3FFD];
	_ =	sdelay $0x3  }
0x97: {  	_ =	strace s4  }
0x98: {  	_ =	strace $0x8FFFFFFF  }
0x99: {  	s19 =	sld [smem:$0x3FDB];
	_ =	sdelay $0x1  }
0x9a: {  	s5 =	simm.s32 $_scs_section_size  }
0x9b: {  	s6 =	simm.s32 $_size__tile_overlayer_lowered;
	s7 =	simm.s32 $_tile_overlayer_lowered  }
0x9c: {  	s22 =	simm.s32 $0x1BFF;
	s21 =	sshll.u32 s7, $0x1;
	s4 =	sadd.s32 s5, s19  }
0x9d: {  	s8 =	simm.s32 $0x0;
	s20 =	sshll.u32 s6, $0x1;
	s6 =	sadd.s32 s21, s4  }
0x9e: {  	[timem:s8], [sflag:s22] =	dma.local [hbm:s6], s20  }
0x9f: {  	_ =	swait.ge [sflag:s22], s20  }
0xa0: {  	s5 =	ssub.s32 $0x0, s20;
	[sflag:s22] =	ssyncset.done $0x0  }
0xa1: {  	[sflag:s22] =	ssyncadd.s32 s5;
	_ =	sdelay $0x1  }
0xa2: {  	s23 =	simm.s32 $0x1B8B  }
0xa3: {  	_ =	swait.ge [sflag:s23], $0x1  }
0xa4: {  	[sflag:s23] =	ssyncset.done $0x0  }
0xa5: {  	s25 =	simm.s32 $0x1B8E;
	s24 =	sld [smem:$0x3FFE];
	[sflag:s23] =	ssyncadd.s32 $0xFFFFFFFF  }
0xa6: {  	s26 =	simm.s32 $execute0_lowered;
	[smem:$0x3FD2] =	sst s25  }
0xa7: {  	s6 =	sshll.u32 s26, $0x1;
	_ =	strace $0x80000046;
	[dreg:$0x1] =	wrdreg $0xFFFFFFFF  }
0xa8: {  	s28 =	simm.s32 $_size_execute0_lowered;
	s4 =	sadd.s32 s4, s6;
	[dreg:$0x0] =	wrdreg $0x0  }
0xa9: {  	s6 =	sshll.u32 s28, $0x1;
	[dreg:$0x2] =	wrdreg s4  }
0xaa: {  	[dreg:$0x3] =	wrdreg s6  }
0xab: {  	[dreg:$0x4] =	wrdreg $0xC0  }
0xac: {  	_ =	task [dreg:s8], $0x5FFFF  }
0xad: {  	[dreg:$0x1] =	wrdreg $0xFFFFFFFF  }
0xae: {  	[dreg:$0x0] =	wrdreg $0x60  }
0xaf: {  	[dreg:$0x2] =	wrdreg s2  }
0xb0: {  	[dreg:$0x3] =	wrdreg s24  }
0xb1: {  	[dreg:$0x4] =	wrdreg s18  }
0xb2: {  	[dreg:$0x5] =	wrdreg $0x9  }
0xb3: {  	_ =	task.clear_ibuf [dreg:s8], $0x6FFFF;
	_ =	strace $0x90000046  }
0xb4: {  	s29 =	simm.s32 $0x9;
	_ =	strace $0x80000048  }
0xb5: {  	_ =	swait.ge [sflag:s29], $0x1  }
0xb6: {  	[sflag:s29] =	ssyncadd.s32 $0xFFFFFFFF  }
0xb7: {  	_ =	strace $0x90000048  }
0xb8: {  	_ =	sfence  }
0xb9: {  	s30 =	sld [smem:$0x0];
	_ =	sdelay $0x2  }
0xba: {  	s31 =	sshll.u32 s1, $0xD;
	s1 =	sshrl.u32 s1, $0x2  }
0xbb: {  	s3 =	sand.u32 $0x4000, s31;
	s1 =	sadd.s32 s1, s30  }
0xbc: {  	s0 =	sor.u32 s3, s0;
	s1 =	sshll.u32 s1, $0x11  }
0xbd: {  	s0 =	sor.u32 s1, s0  }
0xbe: {  	s0 =	sadd.s32 $0x8F2B, s0  }
0xbf: {  	[sflag:s0] =	ssyncadd.remote.s32 $0x1  }
0xc0: {  	_ =	sfence.sel $0xFFFF  }
0xc1: {  	[dreg:$0x0] =	wrdreg $0xFFFFFFFF;
	(pc) =	sbr.abs _section_cstart, $3  }
0xc2: {  	[dreg:$0x1] =	wrdreg $0xFFFFFFFF  }
0xc3: {  	_ =	task.clear_ibuf [dreg:s8], $0x2FFFF;
	_ =	strace $0x9FFFFFFF  }
0xc4: {  	(tm) =	ssettm $0x7FFFFFFF  }
0xc5: {  	_ =	shalt  }
tec
execute0_lowered:
.L_overlay_start_1:
0x0: {  	(tag) =	ssettag $0x1  }
0x1: {  	s2 =	rddreg [dreg:$0x1];
	s1 =	simm.s32 $0x0  }
0x2: {  	s0 =	srdreg.scid;
	s3 =	stileid.u32;
	s13 =	simm.s32 $0xA000  }
0x3: {  	s14 =	simm.s32 $0xA080;
	s15 =	simm.s32 $0xA100;
	s16 =	simm.s32 $0xA180  }
0x4: {  	s17 =	simm.s32 $0xA200;
	s18 =	simm.s32 $0xA280;
	[smem:$0x7FF] =	sst s1  }
0x5: {  	s0 =	sand.u32 $0x1, s0;
	s26 =	sadd.s32 $0xC00, s2;
	s2 =	sadd.s32 $0x800, s2  }
0x6: {  	s30 =	sshll.u32 s3, $0x5;
	_ =	strace $0x80000047;
	s28 =	ssub.s32 $0x2, s0  }
0x7: {  	[dreg:$0x4] =	wrdreg s26;
	s0 =	sshll.u32 s0, $0x4;
	s29 =	sshrl.u32 s28, $0x1  }
0x8: {  	[dreg:$0x5] =	wrdreg s2;
	s0 =	sor.u32 s0, s30;
	s1 =	ssub.s32 s28, s29  }
0x9: {  	s19 =	simm.s32 $0xA300;
	[dreg:$0x6] =	wrdreg s0;
	s31 =	smax.u32 s1, $0x1  }
0xa: {  	s20 =	simm.s32 $0xA380;
	s2 =	simm.s32 $0x0;
	[dreg:$0x7] =	wrdreg s31  }
.LBB2_1:
0xb: {  	[dreg:$0x8] =	wrdreg s2  }
0xc: {  	s1 =	simm.s32 $0x0;
	s0 =	rddreg [dreg:$0x4];
	s28 =	simm.s32 $0x2  }
0xd: {  	[tilespmem:s1], [sflag:$0x2] =	stream.linear.gather [hbm4b:s0+s1], $0x4000, $0x38;
	[tilespmem:$0x1E000] =	vst v63  }
0xe: {  	_ =	swait.ge [sflag:s28], $0x4000  }
0xf: {  	[sflag:s28] =	ssyncset.done $0x0  }
0x10: {  	[sflag:s28] =	ssyncadd.s32 $0xFFFFC000  }
0x11: {  	s3 =	simm.s32 $0x4000;
	s29 =	rddreg [dreg:$0x1]  }
0x12: {  	[tilespmem:s3], [sflag:$0x2] =	stream.linear.gather [hbm4b:s29+s1], $0x4000, $0x38;
	[tilespmem:$0x1E000] =	vst v63  }
0x13: {  	_ =	swait.ge [sflag:s28], $0x4000  }
0x14: {  	[sflag:s28] =	ssyncset.done $0x0  }
0x15: {  	s31 =	simm.s32 $0x8000;
	s30 =	rddreg [dreg:$0x5];
	[sflag:s28] =	ssyncadd.s32 $0xFFFFC000  }
0x16: {  	[tilespmem:s31], [sflag:$0x2] =	stream.linear.gather [hbm4b:s30+s1], $0x2000, $0x38;
	[tilespmem:$0x1E000] =	vst v63  }
0x17: {  	_ =	swait.ge [sflag:s28], $0x2000  }
0x18: {  	[sflag:s28] =	ssyncset.done $0x0  }
0x19: {  	s3 =	simm.s32 $0x0;
	[sflag:s28] =	ssyncadd.s32 $0xFFFFE000  }
.LBB2_2:
0x1a: {  	s0 =	rddreg [dreg:$0x6]  }
0x1b: {  	s0 =	sadd.s32 s0, s3  }
0x1c: {  	s2 =	rddreg [dreg:$0x0];
	s1 =	sshll.u32 s0, $0xD  }
0x1d: {  	s25 =	simm.s32 $0x0;
	s26 =	simm.s32 $0x2;
	s1 =	sadd.s32 s2, s1  }
0x1e: {  	[tilespmem:s13], [sflag:$0x2] =	stream.linear.gather [hbm4b:s1+s25], $0x10000, $0x38;
	[tilespmem:$0x1E000] =	vst v63  }
0x1f: {  	_ =	swait.ge [sflag:s26], $0x10000  }
0x20: {  	[sflag:s26] =	ssyncset.done $0x0  }
0x21: {  	s28 =	sshll.u32 s3, $0x4;
	[dreg:$0x9] =	wrdreg s3;
	[sflag:s26] =	ssyncadd.s32 $0xFFFF0000  }
0x22: {  	s6 =	simm.s32 $0x4000;
	s0 =	sshll.u32 s0, $0xE;
	s31 =	rddreg [dreg:$0x2]  }
0x23: {  	s4 =	simm.s32 $0x0;
	[dreg:$0xa] =	wrdreg s28;
	s0 =	sadd.s32 s31, s0  }
0x24: {  	s30 =	simm.s32 $0x0;
	s29 =	simm.s32 $0x0;
	[dreg:$0xb] =	wrdreg s0  }
.LBB2_3:
0x25: {  	s0 =	rddreg [dreg:$0xa]  }
0x26: {  	s0 =	sadd.s32 s0, s29  }
0x27: {  	p0 =	slt.u32 s0, $0x2  }
0x28: {  	s0 =	simm.s32 @!p0 $0x1  }
0x29: {  	_ =	swait.ge @!p0 [sflag:s0], $0x2000  }
0x2a: {  	[sflag:s0] =	ssyncset.done @!p0 $0x0  }
0x2b: {  	[sflag:s0] =	ssyncadd.s32 @!p0 $0xFFFFE000  }
0x2c: {  	v1 =	vld [tilespmem:s4+$0x0];
	_ =	sdelay $0x3  }
0x2d: {  	s9 =	sshll.u32 s29, $0x9  }
0x2e: {  	s3 =	simm.s32 $0x0;
	s0 =	sand.u32 $0x3FFFFE00, s9;
	v12 =	vshrl.u32 v1, $0x10  }
0x2f: {  	s10 =	sand.u32 $0x180, s3;
	s21 =	sadd.s32 $0x8000, s0  }
0x30: {  	s1 =	sand.u32 $0x70, s3;
	s0 =	sadd.s32 s10, s21  }
0x31: {  	s0 =	sadd.s32 s1, s0  }
0x32: {  	v0 =	vld [tilespmem:s0+$0x0];
	v3 =	vand.u32 $0xFFFF, v1  }
0x33: {  	v5 =	vld.idx.msk [tilespmem:v12+s13+$0x0], $0xffff  }
0x34: {  	v1 =	vld [tilespmem:s6+$0x0];
	_ =	sdelay $0x2  }
0x35: {  	v4 =	vshll.u32 v0, $0x10;
	v6 =	vld.idx.msk [tilespmem:v3+s13+$0x0], $0xffff  }
0x36: {  	v7 =	vmul.f32 v4, v5  }
0x37: {  	v2 =	vshll.u32 v1, $0x10  }
0x38: {  	v7 =	vadd.f32 v2, v7  }
0x39: {  	s11 =	sshll.u32 s29, $0xD;
	v1 =	vand.u32 $0xFFFF0000, v1  }
0x3a: {  	s0 =	sand.u32 $0x2000, s11;
	v5 =	vmul.f32 v1, v5;
	v6 =	vmul.f32 v7, v6  }
0x3b: {  	s2 =	sand.u32 $0x1C00, s3;
	s0 =	sadd.s32 $0x1A000, s0  }
0x3c: {  	s1 =	sand.u32 $0x60, s3;
	s2 =	sadd.s32 s2, s0;
	v5 =	vadd.f32 v6, v5  }
0x3d: {  	s5 =	sadd.s32 s1, s2  }
0x3e: {  	[tilespmem:s5+$0x0] =	vst v5  }
0x3f: {  	v5 =	vld.idx.msk [tilespmem:v12+s14+$0x0], $0xffff;
	_ =	sdelay $0x3  }
0x40: {  	v6 =	vld.idx.msk [tilespmem:v3+s14+$0x0], $0xffff  }
0x41: {  	v7 =	vmul.f32 v4, v5;
	_ =	sdelay $0x1  }
0x42: {  	v7 =	vadd.f32 v2, v7;
	_ =	sdelay $0x1  }
0x43: {  	v5 =	vmul.f32 v1, v5;
	v6 =	vmul.f32 v7, v6  }
0x44: {  	s12 =	sadd.s32 $0x20, s4;
	[dreg:$0xd] =	wrdreg s4  }
0x45: {  	v9 =	vld [tilespmem:s12+$0x0];
	v5 =	vadd.f32 v6, v5;
	_ =	sdelay $0x1  }
0x46: {  	[tilespmem:s5+$0x80] =	vst v5  }
0x47: {  	v6 =	vld.idx.msk [tilespmem:v12+s15+$0x0], $0xffff;
	_ =	sdelay $0x1  }
0x48: {  	s22 =	simm.s32 $0x10;
	v8 =	vshrl.u32 v9, $0x10  }
0x49: {  	s23 =	sand.u32 $0x180, s22  }
0x4a: {  	s3 =	sand.u32 $0x70, s22;
	s4 =	sadd.s32 s23, s21;
	v10 =	vld.idx.msk [tilespmem:v3+s15+$0x0], $0xffff  }
0x4b: {  	s3 =	sadd.s32 s3, s4;
	v11 =	vmul.f32 v4, v6  }
0x4c: {  	v7 =	vld [tilespmem:s3+$0x0];
	v5 =	vand.u32 $0xFFFF, v9;
	[dreg:$0xc] =	wrdreg s6  }
0x4d: {  	s24 =	sadd.s32 $0x20, s6;
	v13 =	vld.idx.msk [tilespmem:v8+s13+$0x0], $0xffff;
	v9 =	vadd.f32 v2, v11  }
0x4e: {  	v11 =	vld [tilespmem:s24+$0x0]  }
0x4f: {  	v6 =	vmul.f32 v1, v6;
	v9 =	vmul.f32 v9, v10;
	_ =	sdelay $0x1  }
0x50: {  	v22 =	vshll.u32 v7, $0x10;
	v10 =	vld.idx.msk [tilespmem:v5+s13+$0x0], $0xffff;
	v6 =	vadd.f32 v9, v6  }
0x51: {  	v14 =	vmul.f32 v22, v13  }
0x52: {  	v9 =	vshll.u32 v11, $0x10;
	[tilespmem:s5+$0x100] =	vst v6  }
0x53: {  	v14 =	vadd.f32 v9, v14;
	v15 =	vld.idx.msk [tilespmem:v12+s16+$0x0], $0xffff  }
0x54: {  	v6 =	vand.u32 $0xFFFF0000, v11  }
0x55: {  	s25 =	simm.s32 $0x100;
	v11 =	vmul.f32 v6, v13;
	v10 =	vmul.f32 v14, v10  }
0x56: {  	s28 =	simm.s32 $0x20;
	s26 =	sand.u32 $0x1C00, s25  }
0x57: {  	s4 =	sadd.s32 s26, s0;
	s3 =	sand.u32 $0x60, s28;
	v10 =	vadd.f32 v10, v11;
	v11 =	vld.idx.msk [tilespmem:v3+s16+$0x0], $0xffff  }
0x58: {  	s11 =	sadd.s32 s3, s4;
	v13 =	vmul.f32 v4, v15  }
0x59: {  	[tilespmem:s11+$0x0] =	vst v10  }
0x5a: {  	v10 =	vld.idx.msk [tilespmem:v8+s14+$0x0], $0xffff;
	v13 =	vadd.f32 v2, v13;
	_ =	sdelay $0x1  }
0x5b: {  	v11 =	vmul.f32 v13, v11;
	v13 =	vmul.f32 v1, v15;
	_ =	sdelay $0x1  }
0x5c: {  	v14 =	vld.idx.msk [tilespmem:v5+s14+$0x0], $0xffff;
	v11 =	vadd.f32 v11, v13  }
0x5d: {  	v13 =	vmul.f32 v22, v10  }
0x5e: {  	[tilespmem:s5+$0x180] =	vst v11  }
0x5f: {  	v11 =	vadd.f32 v9, v13;
	v13 =	vld.idx.msk [tilespmem:v12+s17+$0x0], $0xffff  }
0x60: {  	s31 =	sadd.s32 $0x20, s12  }
0x61: {  	v15 =	vld [tilespmem:s31+$0x0];
	v10 =	vmul.f32 v6, v10;
	v11 =	vmul.f32 v11, v14;
	_ =	sdelay $0x1  }
0x62: {  	v10 =	vadd.f32 v11, v10;
	v11 =	vld.idx.msk [tilespmem:v3+s17+$0x0], $0xffff  }
0x63: {  	v14 =	vmul.f32 v4, v13  }
0x64: {  	s8 =	simm.s32 $0x20;
	[tilespmem:s11+$0x80] =	vst v10  }
0x65: {  	s7 =	sand.u32 $0x180, s8;
	v27 =	vshrl.u32 v15, $0x10;
	v10 =	vld.idx.msk [tilespmem:v8+s15+$0x0], $0xffff;
	v14 =	vadd.f32 v2, v14  }
0x66: {  	s7 =	sadd.s32 s7, s21;
	s2 =	sand.u32 $0x70, s8  }
0x67: {  	s2 =	sadd.s32 s2, s7;
	v16 =	vmul.f32 v1, v13;
	v11 =	vmul.f32 v14, v11  }
0x68: {  	v13 =	vld [tilespmem:s2+$0x0]  }
0x69: {  	v14 =	vand.u32 $0xFFFF, v15;
	v15 =	vld.idx.msk [tilespmem:v5+s15+$0x0], $0xffff;
	v11 =	vadd.f32 v11, v16  }
0x6a: {  	s9 =	sadd.s32 $0x20, s24;
	v16 =	vld.idx.msk [tilespmem:v27+s13+$0x0], $0xffff;
	v17 =	vmul.f32 v22, v10  }
0x6b: {  	v18 =	vld [tilespmem:s9+$0x0];
	[tilespmem:s5+$0x200] =	vst v11  }
0x6c: {  	v11 =	vadd.f32 v9, v17;
	v17 =	vld.idx.msk [tilespmem:v12+s18+$0x0], $0xffff;
	_ =	sdelay $0x1  }
0x6d: {  	v31 =	vshll.u32 v13, $0x10;
	v10 =	vmul.f32 v6, v10;
	v19 =	vld.idx.msk [tilespmem:v14+s13+$0x0], $0xffff;
	v15 =	vmul.f32 v11, v15  }
0x6e: {  	v20 =	vmul.f32 v31, v16  }
0x6f: {  	v21 =	vld.idx.msk [tilespmem:v3+s18+$0x0], $0xffff;
	v11 =	vshll.u32 v18, $0x10;
	v15 =	vadd.f32 v15, v10  }
0x70: {  	v20 =	vadd.f32 v11, v20;
	v23 =	vmul.f32 v4, v17  }
0x71: {  	v10 =	vand.u32 $0xFFFF0000, v18;
	[tilespmem:s11+$0x100] =	vst v15  }
0x72: {  	s10 =	simm.s32 $0x200;
	v15 =	vmul.f32 v10, v16;
	v16 =	vmul.f32 v20, v19;
	v18 =	vld.idx.msk [tilespmem:v8+s16+$0x0], $0xffff;
	v19 =	vadd.f32 v2, v23  }
0x73: {  	s12 =	simm.s32 $0x40;
	s6 =	sand.u32 $0x1C00, s10  }
0x74: {  	s7 =	sand.u32 $0x60, s12;
	s6 =	sadd.s32 s6, s0;
	v17 =	vmul.f32 v1, v17;
	v15 =	vadd.f32 v16, v15;
	v16 =	vmul.f32 v19, v21  }
0x75: {  	s12 =	sadd.s32 s7, s6  }
0x76: {  	[tilespmem:s12+$0x0] =	vst v15;
	v15 =	vld.idx.msk [tilespmem:v5+s16+$0x0], $0xffff;
	v16 =	vadd.f32 v16, v17  }
0x77: {  	v17 =	vmul.f32 v22, v18;
	v19 =	vld.idx.msk [tilespmem:v27+s14+$0x0], $0xffff  }
0x78: {  	[tilespmem:s5+$0x280] =	vst v16  }
0x79: {  	v16 =	vadd.f32 v9, v17;
	v17 =	vld.idx.msk [tilespmem:v12+s19+$0x0], $0xffff;
	_ =	sdelay $0x1  }
0x7a: {  	v20 =	vld.idx.msk [tilespmem:v14+s14+$0x0], $0xffff;
	v15 =	vmul.f32 v16, v15;
	v16 =	vmul.f32 v6, v18  }
0x7b: {  	v18 =	vmul.f32 v31, v19  }
0x7c: {  	v21 =	vld.idx.msk [tilespmem:v3+s19+$0x0], $0xffff;
	v15 =	vadd.f32 v15, v16  }
0x7d: {  	v18 =	vadd.f32 v11, v18;
	v16 =	vmul.f32 v4, v17  }
0x7e: {  	[tilespmem:s11+$0x180] =	vst v15  }
0x7f: {  	v15 =	vmul.f32 v10, v19;
	v19 =	vld.idx.msk [tilespmem:v8+s17+$0x0], $0xffff;
	v18 =	vmul.f32 v18, v20;
	v16 =	vadd.f32 v2, v16  }
0x80: {  	s4 =	sadd.s32 $0x20, s31  }
0x81: {  	v17 =	vmul.f32 v1, v17;
	v20 =	vld [tilespmem:s4+$0x0];
	v15 =	vadd.f32 v18, v15;
	v16 =	vmul.f32 v16, v21;
	_ =	sdelay $0x1  }
0x82: {  	v18 =	vld.idx.msk [tilespmem:v5+s17+$0x0], $0xffff;
	[tilespmem:s12+$0x80] =	vst v15;
	v16 =	vadd.f32 v16, v17  }
0x83: {  	v15 =	vmul.f32 v22, v19;
	v17 =	vld.idx.msk [tilespmem:v27+s15+$0x0], $0xffff  }
0x84: {  	s22 =	simm.s32 $0x30;
	[tilespmem:s5+$0x300] =	vst v16  }
0x85: {  	s8 =	sand.u32 $0x180, s22;
	v24 =	vshrl.u32 v20, $0x10;
	v15 =	vadd.f32 v9, v15;
	v16 =	vld.idx.msk [tilespmem:v12+s20+$0x0], $0xffff  }
0x86: {  	s8 =	sadd.s32 s8, s21;
	s6 =	sand.u32 $0x70, s22  }
0x87: {  	s6 =	sadd.s32 s6, s8;
	v21 =	vld.idx.msk [tilespmem:v14+s15+$0x0], $0xffff;
	v19 =	vmul.f32 v6, v19;
	v18 =	vmul.f32 v15, v18  }
0x88: {  	v12 =	vld [tilespmem:s6+$0x0];
	v23 =	vmul.f32 v31, v17  }
0x89: {  	v3 =	vld.idx.msk [tilespmem:v3+s20+$0x0], $0xffff;
	v15 =	vand.u32 $0xFFFF, v20;
	v18 =	vadd.f32 v18, v19  }
0x8a: {  	s23 =	sadd.s32 $0x20, s9;
	v20 =	vld.idx.msk [tilespmem:v24+s13+$0x0], $0xffff;
	v19 =	vadd.f32 v11, v23;
	v4 =	vmul.f32 v4, v16  }
0x8b: {  	v23 =	vld [tilespmem:s23+$0x0];
	[tilespmem:s11+$0x200] =	vst v18  }
0x8c: {  	v18 =	vmul.f32 v10, v17;
	v25 =	vld.idx.msk [tilespmem:v8+s18+$0x0], $0xffff;
	v2 =	vadd.f32 v2, v4;
	v4 =	vmul.f32 v19, v21  }
0x8d: {  	v17 =	vshll.u32 v12, $0x10  }
0x8e: {  	v1 =	vmul.f32 v1, v16;
	v21 =	vld.idx.msk [tilespmem:v15+s13+$0x0], $0xffff;
	v2 =	vmul.f32 v2, v3;
	v3 =	vadd.f32 v4, v18  }
0x8f: {  	v4 =	vmul.f32 v17, v20  }
0x90: {  	s24 =	sadd.s32 $0x0, s30;
	v16 =	vld.idx.msk [tilespmem:v5+s18+$0x0], $0xffff;
	v19 =	vshll.u32 v23, $0x10;
	v1 =	vadd.f32 v2, v1;
	[tilespmem:s12+$0x100] =	vst v3  }
0x91: {  	s2 =	sand.u32 $0x3F80, s24;
	v2 =	vadd.f32 v19, v4;
	v3 =	vmul.f32 v22, v25;
	v26 =	vld.idx.msk [tilespmem:v27+s16+$0x0], $0xffff  }
0x92: {  	s25 =	sor.u32 s2, s1;
	v18 =	vand.u32 $0xFFFF0000, v23;
	[tilespmem:s5+$0x380] =	vst v1  }
0x93: {  	s26 =	simm.s32 $0x300;
	v1 =	vmul.f32 v18, v20;
	v2 =	vmul.f32 v2, v21;
	v3 =	vadd.f32 v9, v3;
	v20 =	vld [tilespmem:s25+$0x10]  }
0x94: {  	s28 =	sand.u32 $0x1C00, s26;
	s22 =	simm.s32 $0x60  }
0x95: {  	s1 =	sand.u32 $0x60, s22;
	s2 =	sadd.s32 s28, s0;
	v1 =	vadd.f32 v2, v1;
	v2 =	vmul.f32 v3, v16;
	v3 =	vmul.f32 v6, v25;
	v16 =	vld.idx.msk [tilespmem:v14+s16+$0x0], $0xffff  }
0x96: {  	s2 =	sadd.s32 s1, s2;
	v21 =	vmul.f32 v31, v26  }
0x97: {  	[tilespmem:s2+$0x0] =	vst v1;
	v1 =	vadd.f32 v2, v3  }
0x98: {  	v3 =	vld.idx.msk [tilespmem:v24+s14+$0x0], $0xffff;
	v4 =	vshrl.u32 v20, $0x10;
	v2 =	vadd.f32 v11, v21  }
0x99: {  	[tilespmem:s11+$0x280] =	vst v1  }
0x9a: {  	v23 =	vmul.f32 v10, v26;
	v1 =	vld.idx.msk [tilespmem:v8+s19+$0x0], $0xffff;
	v16 =	vmul.f32 v2, v16  }
0x9b: {  	v25 =	vld.idx.msk [tilespmem:v15+s14+$0x0], $0xffff  }
0x9c: {  	v26 =	vld.idx.msk [tilespmem:v5+s19+$0x0], $0xffff;
	v2 =	vand.u32 $0xFFFF, v20;
	v16 =	vadd.f32 v16, v23  }
0x9d: {  	v20 =	vmul.f32 v17, v3;
	v23 =	vld.idx.msk [tilespmem:v4+s13+$0x0], $0xffff  }
0x9e: {  	[tilespmem:s12+$0x180] =	vst v16;
	v16 =	vld [tilespmem:s25+$0x4010]  }
0x9f: {  	v28 =	vmul.f32 v22, v1;
	v20 =	vadd.f32 v19, v20  }
0xa0: {  	v0 =	vand.u32 $0xFFFF0000, v0;
	v29 =	vld.idx.msk [tilespmem:v27+s17+$0x0], $0xffff  }
0xa1: {  	s4 =	sadd.s32 $0x20, s4;
	v3 =	vmul.f32 v18, v3;
	v30 =	vld.idx.msk [tilespmem:v2+s13+$0x0], $0xffff;
	v28 =	vadd.f32 v9, v28;
	v20 =	vmul.f32 v20, v25  }
0xa2: {  	v21 =	vld [tilespmem:s4+$0x0];
	v25 =	vmul.f32 v6, v1;
	v32 =	vmul.f32 v0, v23  }
0xa3: {  	v26 =	vmul.f32 v28, v26;
	v3 =	vadd.f32 v20, v3;
	v1 =	vshll.u32 v16, $0x10  }
0xa4: {  	v28 =	vld.idx.msk [tilespmem:v14+s17+$0x0], $0xffff;
	v32 =	vadd.f32 v1, v32  }
0xa5: {  	s31 =	simm.s32 $0x40;
	v33 =	vmul.f32 v31, v29;
	v25 =	vadd.f32 v26, v25;
	[tilespmem:s2+$0x80] =	vst v3;
	v3 =	vand.u32 $0xFFFF0000, v16  }
0xa6: {  	s9 =	sadd.s32 $0x20, s23;
	s10 =	sand.u32 $0x180, s31;
	v26 =	vld.idx.msk [tilespmem:v24+s15+$0x0], $0xffff;
	v23 =	vmul.f32 v3, v23;
	v30 =	vmul.f32 v32, v30  }
0xa7: {  	v34 =	vld [tilespmem:s9+$0x0];
	s8 =	sand.u32 $0x70, s31;
	s6 =	sadd.s32 s10, s21;
	v20 =	vshrl.u32 v21, $0x10;
	v46 =	vadd.f32 v11, v33;
	[tilespmem:s11+$0x300] =	vst v25  }
0xa8: {  	s6 =	sadd.s32 s8, s6;
	v8 =	vld.idx.msk [tilespmem:v8+s20+$0x0], $0xffff;
	v23 =	vadd.f32 v30, v23  }
0xa9: {  	v16 =	vld [tilespmem:s6+$0x0];
	v25 =	vmul.f32 v46, v28;
	v28 =	vmul.f32 v10, v29  }
0xaa: {  	v30 =	vld.idx.msk [tilespmem:v15+s15+$0x0], $0xffff;
	[tilespmem:s5+$0x10] =	vst v23  }
0xab: {  	v21 =	vand.u32 $0xFFFF, v21;
	v23 =	vadd.f32 v25, v28;
	v25 =	vmul.f32 v17, v26;
	v28 =	vld.idx.msk [tilespmem:v4+s14+$0x0], $0xffff  }
0xac: {  	v29 =	vld.idx.msk [tilespmem:v20+s13+$0x0], $0xffff  }
0xad: {  	v5 =	vld.idx.msk [tilespmem:v5+s20+$0x0], $0xffff;
	[tilespmem:s12+$0x200] =	vst v23;
	v23 =	vmul.f32 v22, v8;
	v25 =	vadd.f32 v19, v25  }
0xae: {  	v47 =	vld.idx.msk [tilespmem:v27+s18+$0x0], $0xffff  }
0xaf: {  	v26 =	vmul.f32 v18, v26;
	v48 =	vld.idx.msk [tilespmem:v2+s14+$0x0], $0xffff;
	v9 =	vadd.f32 v9, v23;
	v23 =	vmul.f32 v25, v30  }
0xb0: {  	v22 =	vshll.u32 v16, $0x10;
	v30 =	vld.idx.msk [tilespmem:v21+s13+$0x0], $0xffff;
	v36 =	vmul.f32 v0, v28  }
0xb1: {  	v6 =	vmul.f32 v6, v8;
	v35 =	vmul.f32 v22, v29;
	v8 =	vadd.f32 v23, v26  }
0xb2: {  	v25 =	vshll.u32 v34, $0x10;
	v5 =	vmul.f32 v9, v5;
	v9 =	vld.idx.msk [tilespmem:v14+s18+$0x0], $0xffff;
	v26 =	vadd.f32 v1, v36  }
0xb3: {  	v50 =	vadd.f32 v25, v35;
	v23 =	vand.u32 $0xFFFF0000, v34;
	v49 =	vmul.f32 v31, v47;
	[tilespmem:s2+$0x100] =	vst v8  }
0xb4: {  	s23 =	sadd.s32 $0x20, s30;
	v5 =	vadd.f32 v5, v6;
	v8 =	vld.idx.msk [tilespmem:v24+s16+$0x0], $0xffff;
	v6 =	vmul.f32 v26, v48;
	v26 =	vmul.f32 v3, v28  }
0xb5: {  	s24 =	simm.s32 $0x400;
	s6 =	sand.u32 $0x3F80, s23;
	v29 =	vmul.f32 v23, v29;
	v30 =	vmul.f32 v50, v30;
	v28 =	vadd.f32 v11, v49  }
0xb6: {  	s8 =	simm.s32 $0x80;
	s25 =	sand.u32 $0x1C00, s24;
	s23 =	sor.u32 s6, s3;
	[tilespmem:s11+$0x380] =	vst v5;
	v6 =	vadd.f32 v6, v26  }
0xb7: {  	s3 =	sand.u32 $0x60, s8;
	s6 =	sadd.s32 s25, s0;
	v5 =	vld [tilespmem:s23+$0x10];
	v9 =	vmul.f32 v28, v9;
	v26 =	vmul.f32 v10, v47;
	v28 =	vadd.f32 v30, v29  }
0xb8: {  	s6 =	sadd.s32 s3, s6;
	v29 =	vld.idx.msk [tilespmem:v15+s16+$0x0], $0xffff;
	[tilespmem:s5+$0x90] =	vst v6  }
0xb9: {  	v6 =	vadd.f32 v9, v26;
	[tilespmem:s6+$0x0] =	vst v28;
	v26 =	vmul.f32 v17, v8;
	v9 =	vld.idx.msk [tilespmem:v4+s15+$0x0], $0xffff  }
0xba: {  	v28 =	vld.idx.msk [tilespmem:v20+s14+$0x0], $0xffff  }
0xbb: {  	v26 =	vadd.f32 v19, v26  }
0xbc: {  	v52 =	vld.idx.msk [tilespmem:v2+s15+$0x0], $0xffff;
	[tilespmem:s12+$0x280] =	vst v6;
	v6 =	vshrl.u32 v5, $0x10  }
0xbd: {  	v8 =	vmul.f32 v18, v8;
	v30 =	vld.idx.msk [tilespmem:v27+s19+$0x0], $0xffff;
	v26 =	vmul.f32 v26, v29  }
0xbe: {  	s10 =	sadd.s32 $0x20, s4;
	v29 =	vld.idx.msk [tilespmem:v21+s14+$0x0], $0xffff;
	v53 =	vmul.f32 v0, v9  }
0xbf: {  	v51 =	vld [tilespmem:s10+$0x0];
	v5 =	vand.u32 $0xFFFF, v5;
	v8 =	vadd.f32 v26, v8;
	v26 =	vmul.f32 v22, v28  }
0xc0: {  	v54 =	vld.idx.msk [tilespmem:v14+s19+$0x0], $0xffff;
	v34 =	vadd.f32 v1, v53  }
0xc1: {  	v9 =	vmul.f32 v3, v9;
	v55 =	vld.idx.msk [tilespmem:v6+s13+$0x0], $0xffff;
	v26 =	vadd.f32 v25, v26  }
0xc2: {  	s24 =	simm.s32 $0x50;
	v37 =	vmul.f32 v31, v30;
	[tilespmem:s2+$0x180] =	vst v8;
	v8 =	vld [tilespmem:s23+$0x4010];
	v33 =	vmul.f32 v34, v52  }
0xc3: {  	s28 =	sand.u32 $0x180, s24;
	v39 =	vmul.f32 v23, v28;
	v38 =	vld.idx.msk [tilespmem:v24+s17+$0x0], $0xffff;
	v29 =	vmul.f32 v26, v29  }
0xc4: {  	s26 =	sadd.s32 $0x20, s9;
	s31 =	sand.u32 $0x70, s24;
	s9 =	sadd.s32 s28, s21;
	v28 =	vshrl.u32 v51, $0x10;
	v40 =	vld.idx.msk [tilespmem:v5+s13+$0x0], $0xffff;
	v56 =	vadd.f32 v11, v37;
	v33 =	vadd.f32 v33, v9  }
0xc5: {  	v7 =	vand.u32 $0xFFFF0000, v7;
	s9 =	sadd.s32 s31, s9;
	v30 =	vmul.f32 v10, v30;
	v59 =	vld.idx.msk [tilespmem:v15+s17+$0x0], $0xffff;
	v29 =	vadd.f32 v29, v39  }
0xc6: {  	v26 =	vld [tilespmem:s9+$0x0];
	v34 =	vmul.f32 v56, v54;
	v58 =	vmul.f32 v7, v55;
	[tilespmem:s5+$0x110] =	vst v33  }
0xc7: {  	v9 =	vshll.u32 v8, $0x10;
	v8 =	vand.u32 $0xFFFF0000, v8;
	[tilespmem:s6+$0x80] =	vst v29;
	v61 =	vld.idx.msk [tilespmem:v4+s16+$0x0], $0xffff  }
0xc8: {  	v30 =	vadd.f32 v34, v30;
	v60 =	vadd.f32 v9, v58;
	v29 =	vmul.f32 v17, v38;
	v62 =	vld.idx.msk [tilespmem:v20+s15+$0x0], $0xffff  }
0xc9: {  	v48 =	vld.idx.msk [tilespmem:v28+s13+$0x0], $0xffff;
	v36 =	vmul.f32 v8, v55  }
0xca: {  	v49 =	vld.idx.msk [tilespmem:v2+s16+$0x0], $0xffff;
	[tilespmem:s12+$0x300] =	vst v30;
	v33 =	vmul.f32 v60, v40;
	v29 =	vadd.f32 v19, v29  }
0xcb: {  	v38 =	vmul.f32 v18, v38;
	v30 =	vand.u32 $0xFFFF, v51;
	v63 =	vld.idx.msk [tilespmem:v27+s20+$0x0], $0xffff  }
0xcc: {  	v51 =	vld.idx.msk [tilespmem:v21+s15+$0x0], $0xffff;
	v27 =	vadd.f32 v33, v36;
	v50 =	vmul.f32 v29, v59;
	v41 =	vmul.f32 v0, v61  }
0xcd: {  	v57 =	vld [tilespmem:s26+$0x0];
	v52 =	vmul.f32 v22, v62  }
0xce: {  	v14 =	vld.idx.msk [tilespmem:v14+s20+$0x0], $0xffff;
	v29 =	vshll.u32 v26, $0x10;
	[tilespmem:s11+$0x10] =	vst v27;
	v36 =	vadd.f32 v50, v38;
	v41 =	vadd.f32 v1, v41  }
0xcf: {  	v45 =	vmul.f32 v29, v48;
	v34 =	vmul.f32 v3, v61;
	v42 =	vld.idx.msk [tilespmem:v6+s14+$0x0], $0xffff;
	v53 =	vadd.f32 v25, v52  }
0xd0: {  	v44 =	vld.idx.msk [tilespmem:v30+s13+$0x0], $0xffff;
	v43 =	vmul.f32 v31, v63;
	[tilespmem:s2+$0x200] =	vst v36;
	v33 =	vmul.f32 v41, v49  }
0xd1: {  	s4 =	sadd.s32 $0x20, s26;
	v35 =	vmul.f32 v23, v62;
	v54 =	vld.idx.msk [tilespmem:v24+s18+$0x0], $0xffff;
	v36 =	vmul.f32 v53, v51  }
0xd2: {  	v37 =	vld [tilespmem:s4+$0x0];
	v31 =	vshll.u32 v57, $0x10;
	v11 =	vadd.f32 v11, v43;
	v33 =	vadd.f32 v33, v34  }
0xd3: {  	v56 =	vld.idx.msk [tilespmem:v5+s14+$0x0], $0xffff;
	v10 =	vmul.f32 v10, v63;
	v55 =	vadd.f32 v31, v45;
	v58 =	vadd.f32 v36, v35  }
0xd4: {  	v27 =	vand.u32 $0xFFFF0000, v57;
	v60 =	vld.idx.msk [tilespmem:v15+s18+$0x0], $0xffff;
	v11 =	vmul.f32 v11, v14;
	v57 =	vmul.f32 v7, v42;
	[tilespmem:s5+$0x190] =	vst v33  }
0xd5: {  	v14 =	vmul.f32 v27, v48;
	v59 =	vmul.f32 v55, v44;
	[tilespmem:s6+$0x100] =	vst v58;
	v33 =	vld.idx.msk [tilespmem:v4+s17+$0x0], $0xffff  }
0xd6: {  	s26 =	sadd.s32 $0x20, s10;
	s24 =	sadd.s32 $0x40, s30;
	s23 =	simm.s32 $0x500;
	v10 =	vadd.f32 v11, v10;
	v11 =	vadd.f32 v9, v57;
	v61 =	vmul.f32 v17, v54;
	v34 =	vld.idx.msk [tilespmem:v20+s16+$0x0], $0xffff  }
0xd7: {  	s28 =	sand.u32 $0x3F80, s24;
	s25 =	simm.s32 $0xA0;
	s9 =	sand.u32 $0x1C00, s23;
	v14 =	vadd.f32 v59, v14;
	v51 =	vld.idx.msk [tilespmem:v21+s16+$0x0], $0xffff  }
0xd8: {  	s7 =	sor.u32 s28, s7;
	s10 =	sand.u32 $0x60, s25;
	s9 =	sadd.s32 s9, s0;
	v35 =	vld [tilespmem:s26+$0x0];
	[tilespmem:s12+$0x380] =	vst v10;
	v10 =	vmul.f32 v11, v56;
	v11 =	vmul.f32 v8, v42;
	v32 =	vadd.f32 v19, v61  }
0xd9: {  	s9 =	sadd.s32 s10, s9;
	v49 =	vmul.f32 v18, v54;
	v62 =	vld [tilespmem:s7+$0x10]  }
0xda: {  	[tilespmem:s9+$0x0] =	vst v14;
	v14 =	vld.idx.msk [tilespmem:v2+s17+$0x0], $0xffff;
	v10 =	vadd.f32 v10, v11;
	v11 =	vmul.f32 v32, v60  }
0xdb: {  	s24 =	simm.s32 $0x60;
	v63 =	vld.idx.msk [tilespmem:v30+s14+$0x0], $0xffff;
	v50 =	vmul.f32 v0, v33  }
0xdc: {  	s31 =	sand.u32 $0x180, s24;
	v54 =	vld.idx.msk [tilespmem:v28+s14+$0x0], $0xffff;
	[tilespmem:s11+$0x90] =	vst v10;
	v10 =	vadd.f32 v11, v49;
	v53 =	vmul.f32 v22, v34  }
0xdd: {  	s28 =	sand.u32 $0x70, s24;
	s23 =	sadd.s32 s31, s21;
	v52 =	vld.idx.msk [tilespmem:v6+s15+$0x0], $0xffff;
	v38 =	vadd.f32 v1, v50  }
0xde: {  	s23 =	sadd.s32 s28, s23;
	v41 =	vld [tilespmem:s7+$0x4010];
	v11 =	vshrl.u32 v62, $0x10;
	[tilespmem:s2+$0x280] =	vst v10;
	v10 =	vadd.f32 v25, v53  }
0xdf: {  	v32 =	vld [tilespmem:s23+$0x0];
	v33 =	vmul.f32 v3, v33;
	v14 =	vmul.f32 v38, v14  }
0xe0: {  	v34 =	vmul.f32 v23, v34;
	v55 =	vld.idx.msk [tilespmem:v24+s19+$0x0], $0xffff;
	v40 =	vmul.f32 v10, v51  }
0xe1: {  	v56 =	vld.idx.msk [tilespmem:v5+s15+$0x0], $0xffff;
	v10 =	vand.u32 $0xFFFF, v62;
	v14 =	vadd.f32 v14, v33  }
0xe2: {  	v46 =	vld.idx.msk [tilespmem:v15+s19+$0x0], $0xffff;
	v57 =	vmul.f32 v7, v52;
	v34 =	vadd.f32 v40, v34  }
0xe3: {  	v40 =	vand.u32 $0xFFFF, v35;
	v39 =	vld.idx.msk [tilespmem:v11+s13+$0x0], $0xffff;
	[tilespmem:s5+$0x210] =	vst v14  }
0xe4: {  	v14 =	vmul.f32 v29, v54;
	v47 =	vadd.f32 v9, v57;
	[tilespmem:s6+$0x180] =	vst v34;
	v33 =	vld.idx.msk [tilespmem:v4+s18+$0x0], $0xffff  }
0xe5: {  	v13 =	vand.u32 $0xFFFF0000, v13;
	v58 =	vmul.f32 v17, v55;
	v45 =	vld.idx.msk [tilespmem:v20+s17+$0x0], $0xffff  }
0xe6: {  	v59 =	vmul.f32 v8, v52;
	v42 =	vld.idx.msk [tilespmem:v10+s13+$0x0], $0xffff;
	v14 =	vadd.f32 v31, v14;
	v44 =	vmul.f32 v47, v56  }
0xe7: {  	v43 =	vmul.f32 v27, v54;
	v35 =	vshrl.u32 v35, $0x10;
	v34 =	vld.idx.msk [tilespmem:v2+s18+$0x0], $0xffff;
	v48 =	vadd.f32 v19, v58  }
0xe8: {  	s31 =	sshll.u32 s29, $0xA;
	v60 =	vmul.f32 v18, v55;
	v49 =	vld.idx.msk [tilespmem:v40+s13+$0x0], $0xffff;
	[dreg:$0xe] =	wrdreg s29;
	v14 =	vmul.f32 v14, v63;
	v61 =	vadd.f32 v44, v59  }
0xe9: {  	[dreg:$0xf] =	wrdreg s31;
	v62 =	vmul.f32 v48, v46;
	v63 =	vmul.f32 v13, v39  }
0xea: {  	v48 =	vld.idx.msk [tilespmem:v21+s17+$0x0], $0xffff;
	v50 =	vadd.f32 v14, v43;
	v14 =	vshll.u32 v41, $0x10;
	[tilespmem:s11+$0x110] =	vst v61;
	v38 =	vmul.f32 v0, v33  }
0xeb: {  	s7 =	simm.s32 $0x700;
	s23 =	simm.s32 $0xA0;
	s29 =	simm.s32 $0x600;
	v47 =	vadd.f32 v62, v60;
	v44 =	vadd.f32 v14, v63;
	v36 =	vld.idx.msk [tilespmem:v6+s16+$0x0], $0xffff  }
.LBB2_4:
0xec: {  	p0 =	sne.s32 s7, $0x1F00;
	v46 =	vld.idx.msk [tilespmem:v35+s13+$0x0], $0xffff;
	[tilespmem:s9+$0x80] =	vst v50;
	v50 =	vmul.f32 v22, v45;
	v41 =	vand.u32 $0xFFFF0000, v41;
	v38 =	vadd.f32 v1, v38;
	s28 =	smov.u32 s12;
	s12 =	smov.u32 s2  }
0xed: {  	v43 =	vmov v8;
	s2 =	smov.u32 s6;
	s6 =	smov.u32 s9;
	v51 =	vld.idx.msk [tilespmem:v28+s15+$0x0], $0xffff;
	[tilespmem:s12+$0x300] =	vst v47;
	v42 =	vmul.f32 v44, v42;
	v39 =	vmul.f32 v41, v39  }
0xee: {  	v33 =	vmul.f32 v3, v33;
	v44 =	vadd.f32 v25, v50;
	v24 =	vld.idx.msk [tilespmem:v24+s20+$0x0], $0xffff;
	v38 =	vmul.f32 v38, v34  }
0xef: {  	v8 =	vmovc v41;
	v34 =	vmovc v16;
	v16 =	vmov v26;
	v26 =	vmov v32;
	v39 =	vadd.f32 v42, v39;
	v42 =	vld.idx.msk [tilespmem:v5+s16+$0x0], $0xffff  }
0xf0: {  	v32 =	vld.idx.msk [tilespmem:v30+s15+$0x0], $0xffff;
	v41 =	vmul.f32 v44, v48;
	v44 =	vmul.f32 v23, v45;
	v33 =	vadd.f32 v38, v33  }
0xf1: {  	v38 =	vshll.u32 v26, $0x10;
	v45 =	vld.idx.msk [tilespmem:v15+s20+$0x0], $0xffff;
	[tilespmem:s28+$0x10] =	vst v39;
	v39 =	vmul.f32 v7, v36;
	v15 =	vmovc v21;
	v21 =	vmov v30  }
0xf2: {  	v47 =	vand.u32 $0xFFFF0000, v37;
	v48 =	vmul.f32 v38, v46;
	v41 =	vadd.f32 v41, v44;
	v44 =	vld.idx.msk [tilespmem:v11+s14+$0x0], $0xffff;
	[tilespmem:s5+$0x290] =	vst v33  }
0xf3: {  	s4 =	sadd.s32 $0x20, s4;
	v30 =	vmovc v40;
	v33 =	vshll.u32 v37, $0x10;
	v50 =	vmul.f32 v29, v51;
	v39 =	vadd.f32 v9, v39;
	v52 =	vld.idx.msk [tilespmem:v4+s19+$0x0], $0xffff  }
0xf4: {  	v46 =	vmul.f32 v47, v46;
	v40 =	vadd.f32 v33, v48;
	v17 =	vmul.f32 v17, v24;
	v37 =	vld [tilespmem:s4+$0x0];
	[tilespmem:s2+$0x200] =	vst v41  }
0xf5: {  	v36 =	vmul.f32 v43, v36;
	v41 =	vadd.f32 v31, v50;
	v48 =	vld.idx.msk [tilespmem:v20+s18+$0x0], $0xffff;
	v39 =	vmul.f32 v39, v42  }
0xf6: {  	v40 =	vmul.f32 v40, v49;
	v42 =	vmul.f32 v27, v51;
	v49 =	vadd.f32 v19, v17;
	v19 =	vld.idx.msk [tilespmem:v10+s14+$0x0], $0xffff  }
0xf7: {  	s24 =	sadd.s32 $0x10, s24;
	s26 =	sadd.s32 $0x20, s26;
	v24 =	vmul.f32 v18, v24;
	v32 =	vmul.f32 v41, v32;
	v50 =	vadd.f32 v39, v36;
	v36 =	vld.idx.msk [tilespmem:v2+s19+$0x0], $0xffff  }
0xf8: {  	s9 =	sand.u32 $0x180, s24;
	v41 =	vmul.f32 v49, v45;
	v45 =	vmul.f32 v13, v44;
	v17 =	vmovc v22;
	v22 =	vmovc v29;
	v29 =	vmov v38;
	v39 =	vld [tilespmem:s26+$0x0]  }
0xf9: {  	s31 =	sand.u32 $0x70, s24;
	s9 =	sadd.s32 s9, s21;
	v18 =	vmov v23;
	v38 =	vadd.f32 v32, v42;
	v49 =	vmul.f32 v0, v52;
	v42 =	vld.idx.msk [tilespmem:v15+s18+$0x0], $0xffff;
	[tilespmem:s11+$0x190] =	vst v50  }
0xfa: {  	s9 =	sadd.s32 s31, s9;
	s31 =	sadd.s32 s22, s30;
	s22 =	smov.u32 s8;
	v23 =	vmovc v27;
	v27 =	vmov v47;
	v24 =	vadd.f32 v41, v24;
	v41 =	vadd.f32 v14, v45;
	v45 =	vld.idx.msk [tilespmem:v6+s17+$0x0], $0xffff  }
0xfb: {  	s25 =	sadd.s32 $0x20, s25;
	s8 =	sand.u32 $0x1C00, s29;
	v40 =	vadd.f32 v40, v46;
	v46 =	vadd.f32 v1, v49;
	v32 =	vld [tilespmem:s9+$0x0];
	[tilespmem:s6+$0x100] =	vst v38;
	v38 =	vmul.f32 v17, v48;
	s9 =	sand.u32 $0x3F80, s31  }
0xfc: {  	s29 =	sand.u32 $0x60, s25;
	s8 =	sadd.s32 s8, s0;
	v49 =	vmul.f32 v41, v19;
	v41 =	vmul.f32 v8, v44;
	v19 =	vmov v25;
	v47 =	vld.idx.msk [tilespmem:v28+s16+$0x0], $0xffff;
	[tilespmem:s12+$0x380] =	vst v24;
	s31 =	sor.u32 s9, s1  }
0xfd: {  	v50 =	vmul.f32 v3, v52;
	v25 =	vmovc v31;
	s9 =	sadd.s32 s29, s8;
	v36 =	vmul.f32 v46, v36;
	s8 =	smov.u32 s23;
	s23 =	smov.u32 s25;
	v38 =	vadd.f32 v19, v38;
	v44 =	vld [tilespmem:s31+$0x10]  }
0xfe: {  	v31 =	vmovc v33;
	s1 =	smov.u32 s3;
	s3 =	smov.u32 s10;
	s10 =	smov.u32 s29;
	v24 =	vmov v20;
	v20 =	vmov v28;
	[tilespmem:s9+$0x0] =	vst v40;
	v40 =	vadd.f32 v49, v41;
	v41 =	vld.idx.msk [tilespmem:v5+s17+$0x0], $0xffff  }
0xff: {  	s29 =	smov.u32 s7;
	v49 =	vld.idx.msk [tilespmem:v30+s14+$0x0], $0xffff;
	v33 =	vmul.f32 v38, v42;
	v38 =	vmul.f32 v18, v48;
	v48 =	vadd.f32 v36, v50  }
0x100: {  	v28 =	vmovc v35;
	v46 =	vmov v0;
	v0 =	vmov v7;
	v42 =	vld.idx.msk [tilespmem:v21+s16+$0x0], $0xffff;
	[tilespmem:s28+$0x90] =	vst v40;
	v40 =	vmul.f32 v7, v45  }
0x101: {  	v7 =	vmovc v13;
	v36 =	vmov v1;
	v1 =	vmov v9;
	v33 =	vadd.f32 v33, v38;
	v38 =	vld.idx.msk [tilespmem:v11+s15+$0x0], $0xffff;
	[tilespmem:s5+$0x310] =	vst v48  }
0x102: {  	v13 =	vmul.f32 v22, v47;
	v40 =	vadd.f32 v1, v40;
	v48 =	vld.idx.msk [tilespmem:v4+s20+$0x0], $0xffff;
	v4 =	vmovc v6;
	v6 =	vmov v11  }
0x103: {  	v9 =	vmov v14;
	v11 =	vshrl.u32 v44, $0x10;
	v50 =	vld.idx.msk [tilespmem:v35+s14+$0x0], $0xffff;
	[tilespmem:s2+$0x280] =	vst v33  }
0x104: {  	v13 =	vadd.f32 v25, v13;
	v35 =	vmul.f32 v43, v45;
	v14 =	vld.idx.msk [tilespmem:v24+s19+$0x0], $0xffff;
	v33 =	vmul.f32 v40, v41  }
0x105: {  	v51 =	vld.idx.msk [tilespmem:v10+s15+$0x0], $0xffff  }
0x106: {  	v41 =	vmul.f32 v23, v47;
	v13 =	vmul.f32 v13, v42;
	v33 =	vadd.f32 v33, v35;
	v47 =	vld.idx.msk [tilespmem:v2+s20+$0x0], $0xffff  }
0x107: {  	v40 =	vand.u32 $0xFFFF, v39;
	v42 =	vmul.f32 v7, v38;
	v2 =	vmovc v5;
	v5 =	vmovc v10;
	v10 =	vand.u32 $0xFFFF, v44;
	v52 =	vld.idx.msk [tilespmem:v15+s19+$0x0], $0xffff  }
0x108: {  	v35 =	vshrl.u32 v39, $0x10;
	v41 =	vadd.f32 v13, v41;
	v44 =	vmul.f32 v46, v48;
	v39 =	vld.idx.msk [tilespmem:v11+s13+$0x0], $0xffff;
	[tilespmem:s11+$0x210] =	vst v33  }
0x109: {  	v13 =	vand.u32 $0xFFFF0000, v12;
	v12 =	vmovc v34;
	v45 =	vmul.f32 v29, v50;
	v42 =	vadd.f32 v9, v42;
	v33 =	vld.idx.msk [tilespmem:v4+s18+$0x0], $0xffff  }
0x10a: {  	v46 =	vmul.f32 v27, v50;
	v34 =	vmul.f32 v17, v14;
	v36 =	vadd.f32 v36, v44;
	[tilespmem:s6+$0x180] =	vst v41;
	v41 =	vld [tilespmem:s31+$0x4010]  }
0x10b: {  	v38 =	vmul.f32 v8, v38;
	v44 =	vadd.f32 v31, v45;
	v50 =	vmul.f32 v42, v51;
	v45 =	vld.idx.msk [tilespmem:v20+s17+$0x0], $0xffff  }
.Ltmp0:
0x10c: {  	v3 =	vmul.f32 v3, v48;
	v51 =	vadd.f32 v19, v34;
	v36 =	vmul.f32 v36, v47;
	v42 =	vld.idx.msk [tilespmem:v10+s13+$0x0], $0xffff;
	(pc) =	sbr.rel @p0 .LBB2_4-.Ltmp0, $4  }
0x10d: {  	v47 =	vmul.f32 v18, v14;
	v44 =	vmul.f32 v44, v49;
	v38 =	vadd.f32 v50, v38;
	v34 =	vld.idx.msk [tilespmem:v2+s18+$0x0], $0xffff  }
0x10e: {  	v51 =	vmul.f32 v51, v52;
	v52 =	vmul.f32 v13, v39;
	v53 =	vadd.f32 v36, v3;
	v49 =	vld.idx.msk [tilespmem:v40+s13+$0x0], $0xffff  }
0x10f: {  	v50 =	vadd.f32 v44, v46;
	v48 =	vld.idx.msk [tilespmem:v21+s17+$0x0], $0xffff;
	v14 =	vshll.u32 v41, $0x10;
	[tilespmem:s28+$0x110] =	vst v38;
	v38 =	vmul.f32 v0, v33  }
0x110: {  	s7 =	sadd.s32 $0x100, s7;
	v3 =	vmov v43;
	v47 =	vadd.f32 v51, v47;
	v44 =	vadd.f32 v14, v52;
	v36 =	vld.idx.msk [tilespmem:v6+s16+$0x0], $0xffff;
	[tilespmem:s5+$0x390] =	vst v53;
	s5 =	smov.u32 s11;
	s11 =	smov.u32 s28  }
0x111: {  	_ =	sdelay $0x3  }
0x112: {  	v51 =	vld.idx.msk [tilespmem:v35+s13+$0x0], $0xffff;
	_ =	sdelay $0x3  }
0x113: {  	v46 =	vshll.u32 v32, $0x10  }
0x114: {  	v52 =	vmul.f32 v46, v51  }
0x115: {  	v43 =	vshll.u32 v37, $0x10  }
0x116: {  	v52 =	vadd.f32 v43, v52  }
0x117: {  	v37 =	vand.u32 $0xFFFF0000, v37  }
0x118: {  	v51 =	vmul.f32 v37, v51;
	v49 =	vmul.f32 v52, v49  }
0x119: {  	s21 =	sand.u32 $0x1C00, s29;
	s7 =	sadd.s32 $0x20, s25  }
0x11a: {  	s4 =	sand.u32 $0x60, s7;
	s21 =	sadd.s32 s21, s0;
	v49 =	vadd.f32 v49, v51  }
0x11b: {  	s21 =	sadd.s32 s4, s21  }
0x11c: {  	[tilespmem:s21+$0x0] =	vst v49  }
0x11d: {  	v49 =	vld.idx.msk [tilespmem:v35+s14+$0x0], $0xffff;
	_ =	sdelay $0x3  }
0x11e: {  	v63 =	vld.idx.msk [tilespmem:v40+s14+$0x0], $0xffff  }
0x11f: {  	v56 =	vmul.f32 v46, v49;
	_ =	sdelay $0x1  }
0x120: {  	v52 =	vadd.f32 v43, v56;
	_ =	sdelay $0x1  }
0x121: {  	v49 =	vmul.f32 v37, v49;
	v51 =	vmul.f32 v52, v63;
	_ =	sdelay $0x1  }
0x122: {  	[tilespmem:s9+$0x80] =	vst v50;
	v49 =	vadd.f32 v51, v49  }
0x123: {  	v50 =	vld.idx.msk [tilespmem:v28+s15+$0x0], $0xffff  }
0x124: {  	[tilespmem:s21+$0x80] =	vst v49  }
0x125: {  	v49 =	vld.idx.msk [tilespmem:v35+s15+$0x0], $0xffff;
	_ =	sdelay $0x1  }
0x126: {  	v57 =	vld.idx.msk [tilespmem:v30+s15+$0x0], $0xffff  }
0x127: {  	v58 =	vmul.f32 v29, v50  }
0x128: {  	v53 =	vld.idx.msk [tilespmem:v40+s15+$0x0], $0xffff  }
0x129: {  	v52 =	vadd.f32 v31, v58;
	v54 =	vmul.f32 v46, v49;
	_ =	sdelay $0x1  }
0x12a: {  	v50 =	vmul.f32 v27, v50;
	v51 =	vmul.f32 v52, v57;
	v54 =	vadd.f32 v43, v54;
	_ =	sdelay $0x1  }
0x12b: {  	v50 =	vadd.f32 v51, v50;
	v49 =	vmul.f32 v37, v49;
	v59 =	vmul.f32 v54, v53;
	_ =	sdelay $0x1  }
0x12c: {  	[tilespmem:s9+$0x100] =	vst v50;
	v49 =	vadd.f32 v59, v49  }
0x12d: {  	v50 =	vld.idx.msk [tilespmem:v28+s16+$0x0], $0xffff  }
0x12e: {  	[tilespmem:s21+$0x100] =	vst v49  }
0x12f: {  	v49 =	vld.idx.msk [tilespmem:v35+s16+$0x0], $0xffff;
	_ =	sdelay $0x1  }
0x130: {  	v60 =	vld.idx.msk [tilespmem:v30+s16+$0x0], $0xffff  }
0x131: {  	v61 =	vmul.f32 v29, v50  }
0x132: {  	v62 =	vld.idx.msk [tilespmem:v40+s16+$0x0], $0xffff  }
0x133: {  	v52 =	vadd.f32 v31, v61;
	v63 =	vmul.f32 v46, v49;
	_ =	sdelay $0x1  }
0x134: {  	v50 =	vmul.f32 v27, v50;
	v51 =	vmul.f32 v52, v60;
	v54 =	vadd.f32 v43, v63;
	_ =	sdelay $0x1  }
0x135: {  	v50 =	vadd.f32 v51, v50;
	v49 =	vmul.f32 v37, v49;
	v56 =	vmul.f32 v54, v62;
	_ =	sdelay $0x1  }
0x136: {  	[tilespmem:s9+$0x180] =	vst v50;
	v49 =	vadd.f32 v56, v49  }
0x137: {  	v50 =	vld.idx.msk [tilespmem:v28+s17+$0x0], $0xffff  }
0x138: {  	[tilespmem:s21+$0x180] =	vst v49  }
0x139: {  	v49 =	vld.idx.msk [tilespmem:v35+s17+$0x0], $0xffff;
	_ =	sdelay $0x1  }
0x13a: {  	v57 =	vmul.f32 v22, v45;
	v58 =	vld.idx.msk [tilespmem:v30+s17+$0x0], $0xffff  }
0x13b: {  	v59 =	vmul.f32 v29, v50  }
0x13c: {  	v51 =	vadd.f32 v25, v57;
	v60 =	vld.idx.msk [tilespmem:v40+s17+$0x0], $0xffff  }
0x13d: {  	v62 =	vadd.f32 v31, v59;
	v55 =	vmul.f32 v46, v49  }
0x13e: {  	v61 =	vmul.f32 v23, v45;
	v48 =	vmul.f32 v51, v48  }
0x13f: {  	v50 =	vmul.f32 v27, v50;
	v56 =	vmul.f32 v62, v58;
	v63 =	vadd.f32 v43, v55  }
0x140: {  	v45 =	vadd.f32 v48, v61  }
0x141: {  	v58 =	vadd.f32 v56, v50;
	v49 =	vmul.f32 v37, v49;
	v57 =	vmul.f32 v63, v60  }
0x142: {  	[tilespmem:s6+$0x200] =	vst v45  }
0x143: {  	v59 =	vld.idx.msk [tilespmem:v20+s18+$0x0], $0xffff;
	[tilespmem:s9+$0x200] =	vst v58;
	v49 =	vadd.f32 v57, v49  }
0x144: {  	v45 =	vld.idx.msk [tilespmem:v28+s18+$0x0], $0xffff  }
0x145: {  	[tilespmem:s21+$0x200] =	vst v49  }
0x146: {  	v49 =	vld.idx.msk [tilespmem:v35+s18+$0x0], $0xffff  }
0x147: {  	v60 =	vld.idx.msk [tilespmem:v21+s18+$0x0], $0xffff  }
0x148: {  	v61 =	vmul.f32 v22, v59;
	v62 =	vld.idx.msk [tilespmem:v30+s18+$0x0], $0xffff  }
0x149: {  	v63 =	vmul.f32 v29, v45  }
0x14a: {  	v51 =	vadd.f32 v25, v61;
	v57 =	vld.idx.msk [tilespmem:v40+s18+$0x0], $0xffff  }
0x14b: {  	v48 =	vmul.f32 v23, v59;
	v59 =	vadd.f32 v31, v63;
	v58 =	vmul.f32 v46, v49  }
0x14c: {  	v50 =	vmul.f32 v51, v60  }
0x14d: {  	v45 =	vmul.f32 v27, v45;
	v61 =	vmul.f32 v59, v62;
	v60 =	vadd.f32 v43, v58  }
0x14e: {  	v48 =	vadd.f32 v50, v48  }
0x14f: {  	v45 =	vadd.f32 v61, v45;
	v49 =	vmul.f32 v37, v49;
	v62 =	vmul.f32 v60, v57  }
0x150: {  	[tilespmem:s6+$0x280] =	vst v48  }
0x151: {  	[tilespmem:s9+$0x280] =	vst v45;
	v48 =	vld.idx.msk [tilespmem:v20+s19+$0x0], $0xffff;
	v49 =	vadd.f32 v62, v49  }
0x152: {  	v45 =	vld.idx.msk [tilespmem:v28+s19+$0x0], $0xffff  }
0x153: {  	[tilespmem:s21+$0x280] =	vst v49  }
0x154: {  	v49 =	vld.idx.msk [tilespmem:v35+s19+$0x0], $0xffff  }
0x155: {  	v63 =	vld.idx.msk [tilespmem:v21+s19+$0x0], $0xffff  }
0x156: {  	v57 =	vld.idx.msk [tilespmem:v30+s19+$0x0], $0xffff;
	v56 =	vmul.f32 v22, v48  }
0x157: {  	v58 =	vmul.f32 v29, v45  }
0x158: {  	v51 =	vadd.f32 v25, v56;
	v59 =	vld.idx.msk [tilespmem:v40+s19+$0x0], $0xffff  }
0x159: {  	v61 =	vadd.f32 v31, v58;
	v60 =	vmul.f32 v46, v49  }
0x15a: {  	v48 =	vmul.f32 v23, v48;
	v50 =	vmul.f32 v51, v63  }
0x15b: {  	[tilespmem:s2+$0x300] =	vst v47;
	v45 =	vmul.f32 v27, v45;
	v62 =	vmul.f32 v61, v57;
	v47 =	vadd.f32 v43, v60  }
0x15c: {  	v24 =	vld.idx.msk [tilespmem:v24+s20+$0x0], $0xffff;
	v48 =	vadd.f32 v50, v48  }
0x15d: {  	v45 =	vadd.f32 v62, v45;
	v49 =	vmul.f32 v37, v49;
	v47 =	vmul.f32 v47, v59  }
0x15e: {  	v15 =	vld.idx.msk [tilespmem:v15+s20+$0x0], $0xffff;
	[tilespmem:s6+$0x300] =	vst v48  }
0x15f: {  	[tilespmem:s9+$0x300] =	vst v45;
	v63 =	vld.idx.msk [tilespmem:v20+s20+$0x0], $0xffff;
	v47 =	vadd.f32 v47, v49  }
0x160: {  	v48 =	vld.idx.msk [tilespmem:v28+s20+$0x0], $0xffff  }
0x161: {  	v17 =	vmul.f32 v17, v24;
	[tilespmem:s21+$0x300] =	vst v47  }
0x162: {  	v49 =	vld.idx.msk [tilespmem:v35+s20+$0x0], $0xffff  }
0x163: {  	v17 =	vadd.f32 v19, v17;
	v50 =	vld.idx.msk [tilespmem:v21+s20+$0x0], $0xffff  }
0x164: {  	v18 =	vmul.f32 v18, v24;
	v52 =	vld.idx.msk [tilespmem:v30+s20+$0x0], $0xffff;
	v51 =	vmul.f32 v22, v63  }
0x165: {  	v15 =	vmul.f32 v17, v15;
	v53 =	vmul.f32 v29, v48  }
0x166: {  	v21 =	vadd.f32 v25, v51;
	v54 =	vld.idx.msk [tilespmem:v40+s20+$0x0], $0xffff  }
0x167: {  	v15 =	vadd.f32 v15, v18;
	v57 =	vadd.f32 v31, v53;
	v55 =	vmul.f32 v46, v49  }
0x168: {  	s22 =	sadd.s32 s22, s30;
	v20 =	vmul.f32 v23, v63;
	v17 =	vmul.f32 v21, v50  }
0x169: {  	s22 =	sand.u32 $0x3F80, s22;
	[tilespmem:s2+$0x380] =	vst v15;
	v19 =	vmul.f32 v27, v48;
	v18 =	vmul.f32 v57, v52;
	v15 =	vadd.f32 v43, v55  }
0x16a: {  	s8 =	sadd.s32 s8, s30;
	s1 =	sor.u32 s22, s1;
	v17 =	vadd.f32 v17, v20  }
0x16b: {  	s25 =	sadd.s32 s23, s30;
	s8 =	sand.u32 $0x3F80, s8;
	v56 =	vld [tilespmem:s1+$0x10];
	v18 =	vadd.f32 v18, v19;
	v58 =	vmul.f32 v37, v49;
	v15 =	vmul.f32 v15, v54  }
0x16c: {  	s3 =	sor.u32 s8, s3;
	s8 =	sand.u32 $0x3F80, s25;
	[tilespmem:s6+$0x380] =	vst v17  }
0x16d: {  	s7 =	sadd.s32 s7, s30;
	s8 =	sor.u32 s8, s10;
	[tilespmem:s9+$0x380] =	vst v18;
	v59 =	vld [tilespmem:s3+$0x10];
	v15 =	vadd.f32 v15, v58  }
0x16e: {  	s7 =	sand.u32 $0x3F80, s7;
	v18 =	vld [tilespmem:s8+$0x10]  }
0x16f: {  	s4 =	sor.u32 s7, s4;
	[tilespmem:s21+$0x380] =	vst v15  }
0x170: {  	v17 =	vshrl.u32 v56, $0x10;
	v60 =	vld [tilespmem:s4+$0x10];
	_ =	sdelay $0x1  }
0x171: {  	v62 =	vld [tilespmem:s1+$0x4010];
	v27 =	vshrl.u32 v59, $0x10  }
0x172: {  	v63 =	vld [tilespmem:s3+$0x4010];
	v25 =	vshrl.u32 v18, $0x10  }
0x173: {  	v40 =	vld [tilespmem:s8+$0x4010];
	v15 =	vand.u32 $0xFFFF, v56  }
0x174: {  	v24 =	vand.u32 $0xFFFF0000, v41;
	v61 =	vld.idx.msk [tilespmem:v17+s13+$0x0], $0xffff;
	v23 =	vshrl.u32 v60, $0x10  }
0x175: {  	v42 =	vmul.f32 v44, v42;
	v39 =	vmul.f32 v24, v39;
	v20 =	vand.u32 $0xFFFF, v59;
	v45 =	vld [tilespmem:s4+$0x4010]  }
0x176: {  	v22 =	vand.u32 $0xFFFF, v18;
	v43 =	vld.idx.msk [tilespmem:v27+s13+$0x0], $0xffff  }
0x177: {  	v39 =	vadd.f32 v42, v39;
	v41 =	vld.idx.msk [tilespmem:v25+s13+$0x0], $0xffff  }
0x178: {  	v28 =	vand.u32 $0xFFFF0000, v16;
	v19 =	vand.u32 $0xFFFF0000, v12;
	v51 =	vld.idx.msk [tilespmem:v15+s13+$0x0], $0xffff;
	v21 =	vand.u32 $0xFFFF, v60  }
0x179: {  	v31 =	vand.u32 $0xFFFF0000, v32;
	v35 =	vand.u32 $0xFFFF0000, v26;
	v52 =	vmul.f32 v19, v61;
	v54 =	vld.idx.msk [tilespmem:v23+s13+$0x0], $0xffff  }
0x17a: {  	v12 =	vshll.u32 v62, $0x10;
	v18 =	vand.u32 $0xFFFF0000, v62;
	v16 =	vshll.u32 v63, $0x10;
	v56 =	vld.idx.msk [tilespmem:v20+s13+$0x0], $0xffff  }
0x17b: {  	v26 =	vand.u32 $0xFFFF0000, v63;
	v59 =	vld.idx.msk [tilespmem:v22+s13+$0x0], $0xffff;
	v53 =	vadd.f32 v12, v52;
	v57 =	vmul.f32 v28, v43  }
0x17c: {  	v32 =	vshll.u32 v40, $0x10;
	v29 =	vmul.f32 v18, v61;
	v61 =	vmul.f32 v35, v41  }
0x17d: {  	v30 =	vand.u32 $0xFFFF0000, v40;
	v60 =	vadd.f32 v16, v57;
	v55 =	vmul.f32 v53, v51;
	v62 =	vld.idx.msk [tilespmem:v21+s13+$0x0], $0xffff  }
0x17e: {  	[tilespmem:s12+$0x10] =	vst v39;
	v37 =	vshll.u32 v45, $0x10;
	v47 =	vadd.f32 v32, v61;
	v63 =	vmul.f32 v31, v54  }
0x17f: {  	v52 =	vld.idx.msk [tilespmem:v11+s14+$0x0], $0xffff;
	v43 =	vmul.f32 v26, v43;
	v46 =	vmul.f32 v60, v56;
	v58 =	vadd.f32 v55, v29  }
0x180: {  	v41 =	vmul.f32 v30, v41;
	v53 =	vmul.f32 v47, v59;
	v39 =	vadd.f32 v37, v63  }
0x181: {  	v29 =	vand.u32 $0xFFFF0000, v45;
	v43 =	vadd.f32 v46, v43;
	[tilespmem:s2+$0x10] =	vst v58  }
0x182: {  	v40 =	vadd.f32 v53, v41;
	v42 =	vld.idx.msk [tilespmem:v17+s14+$0x0], $0xffff;
	v44 =	vmul.f32 v29, v54;
	v39 =	vmul.f32 v39, v62  }
0x183: {  	[tilespmem:s6+$0x10] =	vst v43;
	v54 =	vld.idx.msk [tilespmem:v10+s14+$0x0], $0xffff  }
0x184: {  	v55 =	vmul.f32 v13, v52;
	[tilespmem:s9+$0x10] =	vst v40;
	v43 =	vld.idx.msk [tilespmem:v27+s14+$0x0], $0xffff;
	v39 =	vadd.f32 v39, v44  }
0x185: {  	v41 =	vld.idx.msk [tilespmem:v25+s14+$0x0], $0xffff  }
0x186: {  	v56 =	vadd.f32 v14, v55;
	v58 =	vld.idx.msk [tilespmem:v15+s14+$0x0], $0xffff;
	[tilespmem:s21+$0x10] =	vst v39  }
0x187: {  	v57 =	vmul.f32 v24, v52;
	v39 =	vld.idx.msk [tilespmem:v23+s14+$0x0], $0xffff  }
0x188: {  	v60 =	vld.idx.msk [tilespmem:v20+s14+$0x0], $0xffff;
	v59 =	vmul.f32 v19, v42;
	v40 =	vmul.f32 v56, v54  }
0x189: {  	v62 =	vld.idx.msk [tilespmem:v22+s14+$0x0], $0xffff;
	v61 =	vmul.f32 v28, v43  }
0x18a: {  	v63 =	vmul.f32 v35, v41;
	v46 =	vadd.f32 v12, v59;
	v40 =	vadd.f32 v40, v57  }
0x18b: {  	v42 =	vmul.f32 v18, v42;
	v43 =	vmul.f32 v26, v43;
	v53 =	vadd.f32 v16, v61;
	v52 =	vld.idx.msk [tilespmem:v21+s14+$0x0], $0xffff  }
0x18c: {  	v49 =	vadd.f32 v32, v63;
	v45 =	vmul.f32 v46, v58;
	[tilespmem:s12+$0x90] =	vst v40;
	v54 =	vmul.f32 v31, v39  }
0x18d: {  	v41 =	vmul.f32 v30, v41;
	v40 =	vmul.f32 v53, v60;
	v55 =	vld.idx.msk [tilespmem:v11+s15+$0x0], $0xffff  }
0x18e: {  	v57 =	vld.idx.msk [tilespmem:v5+s16+$0x0], $0xffff;
	v56 =	vmul.f32 v49, v62;
	v42 =	vadd.f32 v45, v42;
	v44 =	vadd.f32 v37, v54  }
0x18f: {  	v59 =	vmul.f32 v7, v36;
	v60 =	vld.idx.msk [tilespmem:v10+s15+$0x0], $0xffff;
	v40 =	vadd.f32 v40, v43  }
0x190: {  	v41 =	vadd.f32 v56, v41;
	[tilespmem:s2+$0x90] =	vst v42;
	v39 =	vmul.f32 v29, v39;
	v58 =	vmul.f32 v44, v52  }
0x191: {  	v62 =	vadd.f32 v9, v59;
	v45 =	vld.idx.msk [tilespmem:v17+s15+$0x0], $0xffff;
	[tilespmem:s6+$0x90] =	vst v40  }
0x192: {  	[tilespmem:s9+$0x90] =	vst v41;
	v43 =	vld.idx.msk [tilespmem:v27+s15+$0x0], $0xffff;
	v61 =	vmul.f32 v13, v55;
	v39 =	vadd.f32 v58, v39  }
0x193: {  	v50 =	vmul.f32 v8, v36;
	v49 =	vmul.f32 v62, v57;
	v42 =	vld.idx.msk [tilespmem:v25+s15+$0x0], $0xffff  }
0x194: {  	v63 =	vadd.f32 v14, v61;
	v52 =	vld.idx.msk [tilespmem:v15+s15+$0x0], $0xffff;
	[tilespmem:s21+$0x90] =	vst v39  }
0x195: {  	v36 =	vadd.f32 v49, v50;
	v51 =	vmul.f32 v24, v55;
	v40 =	vld.idx.msk [tilespmem:v23+s15+$0x0], $0xffff  }
0x196: {  	v54 =	vld.idx.msk [tilespmem:v20+s15+$0x0], $0xffff;
	v53 =	vmul.f32 v19, v45;
	v41 =	vmul.f32 v63, v60  }
0x197: {  	v56 =	vld.idx.msk [tilespmem:v22+s15+$0x0], $0xffff;
	[tilespmem:s11+$0x190] =	vst v36;
	v55 =	vmul.f32 v28, v43  }
0x198: {  	v60 =	vld.idx.msk [tilespmem:v6+s17+$0x0], $0xffff;
	v57 =	vadd.f32 v12, v53;
	v58 =	vmul.f32 v35, v42;
	v41 =	vadd.f32 v41, v51  }
0x199: {  	v45 =	vmul.f32 v18, v45;
	v43 =	vmul.f32 v26, v43;
	v61 =	vadd.f32 v16, v55;
	v59 =	vld.idx.msk [tilespmem:v21+s15+$0x0], $0xffff  }
0x19a: {  	v39 =	vadd.f32 v32, v58;
	[tilespmem:s12+$0x110] =	vst v41;
	v36 =	vmul.f32 v57, v52;
	v62 =	vmul.f32 v31, v40  }
0x19b: {  	v42 =	vmul.f32 v30, v42;
	v41 =	vmul.f32 v61, v54;
	v63 =	vld.idx.msk [tilespmem:v11+s16+$0x0], $0xffff  }
0x19c: {  	v51 =	vld.idx.msk [tilespmem:v5+s17+$0x0], $0xffff;
	v39 =	vmul.f32 v39, v56;
	v36 =	vadd.f32 v36, v45;
	v44 =	vadd.f32 v37, v62  }
0x19d: {  	v53 =	vmul.f32 v7, v60;
	v54 =	vld.idx.msk [tilespmem:v10+s16+$0x0], $0xffff;
	v41 =	vadd.f32 v41, v43  }
0x19e: {  	v55 =	vadd.f32 v39, v42;
	[tilespmem:s2+$0x110] =	vst v36;
	v40 =	vmul.f32 v29, v40;
	v52 =	vmul.f32 v44, v59  }
0x19f: {  	v38 =	vadd.f32 v1, v38;
	v57 =	vadd.f32 v9, v53;
	[tilespmem:s6+$0x110] =	vst v41;
	v42 =	vld.idx.msk [tilespmem:v17+s16+$0x0], $0xffff  }
0x1a0: {  	v41 =	vld.idx.msk [tilespmem:v27+s16+$0x0], $0xffff;
	[tilespmem:s9+$0x110] =	vst v55;
	v56 =	vmul.f32 v13, v63;
	v40 =	vadd.f32 v52, v40  }
0x1a1: {  	v33 =	vmul.f32 v3, v33;
	v34 =	vmul.f32 v38, v34;
	v39 =	vld.idx.msk [tilespmem:v25+s16+$0x0], $0xffff  }
0x1a2: {  	v38 =	vmul.f32 v57, v51;
	v62 =	vld.idx.msk [tilespmem:v15+s16+$0x0], $0xffff;
	v58 =	vadd.f32 v14, v56;
	[tilespmem:s21+$0x110] =	vst v40  }
0x1a3: {  	v33 =	vadd.f32 v34, v33;
	v61 =	vmul.f32 v24, v63;
	v59 =	vmul.f32 v8, v60;
	v43 =	vld.idx.msk [tilespmem:v23+s16+$0x0], $0xffff  }
0x1a4: {  	v48 =	vld.idx.msk [tilespmem:v20+s16+$0x0], $0xffff;
	v60 =	vmul.f32 v58, v54;
	v63 =	vmul.f32 v19, v42  }
0x1a5: {  	[tilespmem:s5+$0x290] =	vst v33;
	v50 =	vmul.f32 v28, v41;
	v38 =	vadd.f32 v38, v59  }
0x1a6: {  	v51 =	vld.idx.msk [tilespmem:v22+s16+$0x0], $0xffff;
	v42 =	vmul.f32 v18, v42;
	v49 =	vadd.f32 v60, v61;
	v52 =	vadd.f32 v12, v63  }
0x1a7: {  	v53 =	vmul.f32 v35, v39;
	v55 =	vadd.f32 v16, v50;
	[tilespmem:s11+$0x210] =	vst v38;
	v54 =	vld.idx.msk [tilespmem:v21+s16+$0x0], $0xffff  }
0x1a8: {  	[tilespmem:s12+$0x190] =	vst v49;
	v38 =	vmul.f32 v52, v62;
	v56 =	vmul.f32 v31, v43  }
0x1a9: {  	v41 =	vmul.f32 v26, v41;
	v40 =	vadd.f32 v32, v53;
	v33 =	vmul.f32 v55, v48;
	v57 =	vld.idx.msk [tilespmem:v11+s17+$0x0], $0xffff  }
0x1aa: {  	v58 =	vld.idx.msk [tilespmem:v6+s18+$0x0], $0xffff;
	v38 =	vadd.f32 v38, v42;
	v34 =	vadd.f32 v37, v56  }
0x1ab: {  	v39 =	vmul.f32 v30, v39;
	v59 =	vld.idx.msk [tilespmem:v5+s18+$0x0], $0xffff;
	v36 =	vmul.f32 v40, v51;
	v33 =	vadd.f32 v33, v41  }
0x1ac: {  	v61 =	vld.idx.msk [tilespmem:v10+s17+$0x0], $0xffff;
	[tilespmem:s2+$0x190] =	vst v38;
	v60 =	vmul.f32 v29, v43;
	v34 =	vmul.f32 v34, v54  }
0x1ad: {  	v36 =	vadd.f32 v36, v39;
	[tilespmem:s6+$0x190] =	vst v33;
	v63 =	vld.idx.msk [tilespmem:v17+s17+$0x0], $0xffff  }
0x1ae: {  	v41 =	vld.idx.msk [tilespmem:v27+s17+$0x0], $0xffff;
	v62 =	vmul.f32 v13, v57;
	v46 =	vadd.f32 v34, v60  }
0x1af: {  	v48 =	vmul.f32 v7, v58;
	[tilespmem:s9+$0x190] =	vst v36;
	v52 =	vld.idx.msk [tilespmem:v15+s17+$0x0], $0xffff  }
0x1b0: {  	v38 =	vld.idx.msk [tilespmem:v25+s17+$0x0], $0xffff;
	v49 =	vadd.f32 v14, v62;
	[tilespmem:s21+$0x190] =	vst v46  }
0x1b1: {  	v44 =	vmul.f32 v8, v58;
	v51 =	vmul.f32 v24, v57;
	v50 =	vadd.f32 v9, v48;
	v34 =	vld.idx.msk [tilespmem:v23+s17+$0x0], $0xffff  }
0x1b2: {  	v54 =	vld.idx.msk [tilespmem:v20+s17+$0x0], $0xffff;
	v36 =	vmul.f32 v49, v61;
	v53 =	vmul.f32 v19, v63  }
0x1b3: {  	v33 =	vmul.f32 v50, v59;
	v55 =	vmul.f32 v28, v41  }
0x1b4: {  	v56 =	vld.idx.msk [tilespmem:v22+s17+$0x0], $0xffff;
	v39 =	vmul.f32 v18, v63;
	v36 =	vadd.f32 v36, v51;
	v40 =	vadd.f32 v12, v53  }
0x1b5: {  	v41 =	vmul.f32 v26, v41;
	v57 =	vmul.f32 v35, v38;
	v59 =	vadd.f32 v16, v55;
	v58 =	vld.idx.msk [tilespmem:v21+s17+$0x0], $0xffff  }
0x1b6: {  	v45 =	vld.idx.msk [tilespmem:v4+s19+$0x0], $0xffff;
	[tilespmem:s12+$0x210] =	vst v36;
	v40 =	vmul.f32 v40, v52;
	v60 =	vmul.f32 v31, v34  }
0x1b7: {  	v33 =	vadd.f32 v33, v44;
	v62 =	vadd.f32 v32, v57;
	v36 =	vmul.f32 v59, v54;
	v61 =	vld.idx.msk [tilespmem:v11+s18+$0x0], $0xffff  }
0x1b8: {  	v63 =	vld.idx.msk [tilespmem:v2+s19+$0x0], $0xffff;
	v38 =	vmul.f32 v30, v38;
	v46 =	vadd.f32 v40, v39;
	v42 =	vadd.f32 v37, v60  }
0x1b9: {  	[tilespmem:s11+$0x290] =	vst v33;
	v47 =	vmul.f32 v62, v56;
	v52 =	vld.idx.msk [tilespmem:v10+s18+$0x0], $0xffff;
	v36 =	vadd.f32 v36, v41  }
0x1ba: {  	v40 =	vld.idx.msk [tilespmem:v6+s19+$0x0], $0xffff;
	[tilespmem:s2+$0x210] =	vst v46;
	v34 =	vmul.f32 v29, v34;
	v50 =	vmul.f32 v42, v58  }
0x1bb: {  	v51 =	vmul.f32 v0, v45;
	v53 =	vadd.f32 v47, v38;
	[tilespmem:s6+$0x210] =	vst v36;
	v39 =	vld.idx.msk [tilespmem:v17+s18+$0x0], $0xffff  }
0x1bc: {  	v41 =	vld.idx.msk [tilespmem:v27+s18+$0x0], $0xffff;
	v54 =	vmul.f32 v13, v61;
	v34 =	vadd.f32 v50, v34  }
0x1bd: {  	v55 =	vadd.f32 v1, v51;
	[tilespmem:s9+$0x210] =	vst v53  }
0x1be: {  	v59 =	vmul.f32 v3, v45;
	v38 =	vld.idx.msk [tilespmem:v25+s18+$0x0], $0xffff;
	v56 =	vadd.f32 v14, v54;
	[tilespmem:s21+$0x210] =	vst v34  }
0x1bf: {  	v57 =	vmul.f32 v55, v63;
	v55 =	vmul.f32 v7, v40;
	v36 =	vld.idx.msk [tilespmem:v23+s18+$0x0], $0xffff  }
0x1c0: {  	v43 =	vld.idx.msk [tilespmem:v15+s18+$0x0], $0xffff;
	v58 =	vmul.f32 v24, v61;
	v33 =	vmul.f32 v56, v52  }
0x1c1: {  	v61 =	vld.idx.msk [tilespmem:v20+s18+$0x0], $0xffff;
	v60 =	vmul.f32 v19, v39;
	v62 =	vmul.f32 v28, v41  }
0x1c2: {  	v63 =	vld.idx.msk [tilespmem:v22+s18+$0x0], $0xffff;
	v39 =	vmul.f32 v18, v39;
	v41 =	vmul.f32 v26, v41  }
0x1c3: {  	v53 =	vmul.f32 v35, v38;
	v33 =	vadd.f32 v33, v58;
	v52 =	vadd.f32 v12, v60;
	v54 =	vld.idx.msk [tilespmem:v21+s18+$0x0], $0xffff  }
0x1c4: {  	v56 =	vadd.f32 v16, v62;
	v34 =	vadd.f32 v57, v59;
	v57 =	vmul.f32 v31, v36  }
0x1c5: {  	v38 =	vmul.f32 v30, v38;
	v59 =	vadd.f32 v32, v53;
	v43 =	vmul.f32 v52, v43  }
0x1c6: {  	v60 =	vld.idx.msk [tilespmem:v5+s19+$0x0], $0xffff;
	[tilespmem:s12+$0x290] =	vst v33;
	v33 =	vmul.f32 v56, v61;
	v42 =	vadd.f32 v37, v57  }
0x1c7: {  	v58 =	vld.idx.msk [tilespmem:v11+s19+$0x0], $0xffff;
	[tilespmem:s5+$0x310] =	vst v34;
	v62 =	vmul.f32 v59, v63;
	v61 =	vadd.f32 v43, v39  }
0x1c8: {  	v47 =	vld.idx.msk [tilespmem:v10+s19+$0x0], $0xffff;
	v33 =	vadd.f32 v33, v41;
	v36 =	vmul.f32 v29, v36;
	v63 =	vmul.f32 v42, v54  }
0x1c9: {  	v4 =	vld.idx.msk [tilespmem:v4+s20+$0x0], $0xffff;
	v48 =	vadd.f32 v62, v38;
	[tilespmem:s2+$0x290] =	vst v61  }
0x1ca: {  	v46 =	vadd.f32 v9, v55;
	[tilespmem:s6+$0x290] =	vst v33;
	v39 =	vld.idx.msk [tilespmem:v17+s19+$0x0], $0xffff;
	v51 =	vadd.f32 v63, v36  }
0x1cb: {  	v53 =	vmul.f32 v8, v40;
	v41 =	vld.idx.msk [tilespmem:v27+s19+$0x0], $0xffff;
	[tilespmem:s9+$0x290] =	vst v48  }
0x1cc: {  	v52 =	vmul.f32 v46, v60;
	v49 =	vmul.f32 v13, v58;
	v40 =	vld.idx.msk [tilespmem:v25+s19+$0x0], $0xffff;
	[tilespmem:s21+$0x290] =	vst v51  }
0x1cd: {  	v33 =	vld.idx.msk [tilespmem:v23+s19+$0x0], $0xffff  }
0x1ce: {  	v34 =	vadd.f32 v52, v53;
	v55 =	vld.idx.msk [tilespmem:v15+s19+$0x0], $0xffff;
	v38 =	vadd.f32 v14, v49  }
0x1cf: {  	v56 =	vmul.f32 v24, v58;
	v58 =	vld.idx.msk [tilespmem:v20+s19+$0x0], $0xffff;
	v57 =	vmul.f32 v19, v39  }
0x1d0: {  	v60 =	vld.idx.msk [tilespmem:v22+s19+$0x0], $0xffff;
	[tilespmem:s11+$0x310] =	vst v34;
	v54 =	vmul.f32 v38, v47;
	v59 =	vmul.f32 v28, v41  }
0x1d1: {  	v50 =	vmul.f32 v18, v39;
	v62 =	vmul.f32 v35, v40;
	v61 =	vadd.f32 v12, v57;
	v63 =	vld.idx.msk [tilespmem:v21+s19+$0x0], $0xffff  }
0x1d2: {  	v6 =	vld.idx.msk [tilespmem:v6+s20+$0x0], $0xffff;
	v41 =	vmul.f32 v26, v41;
	v34 =	vadd.f32 v16, v59;
	v48 =	vmul.f32 v31, v33  }
0x1d3: {  	v36 =	vadd.f32 v54, v56;
	v54 =	vld.idx.msk [tilespmem:v2+s20+$0x0], $0xffff;
	v51 =	vadd.f32 v32, v62;
	v49 =	vmul.f32 v61, v55  }
0x1d4: {  	v56 =	vmul.f32 v30, v40;
	v57 =	vld.idx.msk [tilespmem:v5+s20+$0x0], $0xffff;
	v34 =	vmul.f32 v34, v58;
	v53 =	vadd.f32 v37, v48  }
0x1d5: {  	v59 =	vmul.f32 v0, v4;
	[tilespmem:s12+$0x310] =	vst v36;
	v55 =	vmul.f32 v51, v60;
	v36 =	vadd.f32 v49, v50  }
0x1d6: {  	v52 =	vld.idx.msk [tilespmem:v11+s20+$0x0], $0xffff;
	v34 =	vadd.f32 v34, v41;
	v33 =	vmul.f32 v29, v33;
	v58 =	vmul.f32 v53, v63  }
0x1d7: {  	v62 =	vmul.f32 v7, v6;
	v60 =	vld.idx.msk [tilespmem:v10+s20+$0x0], $0xffff;
	v61 =	vadd.f32 v55, v56;
	[tilespmem:s2+$0x310] =	vst v36  }
0x1d8: {  	[tilespmem:s6+$0x310] =	vst v34;
	v17 =	vld.idx.msk [tilespmem:v17+s20+$0x0], $0xffff;
	v33 =	vadd.f32 v58, v33  }
0x1d9: {  	v0 =	vadd.f32 v1, v59;
	v7 =	vadd.f32 v9, v62;
	v34 =	vld.idx.msk [tilespmem:v27+s20+$0x0], $0xffff;
	[tilespmem:s9+$0x310] =	vst v61  }
0x1da: {  	v38 =	vmul.f32 v3, v4;
	v41 =	vmul.f32 v8, v6;
	v36 =	vld.idx.msk [tilespmem:v25+s20+$0x0], $0xffff;
	[tilespmem:s21+$0x310] =	vst v33  }
0x1db: {  	v0 =	vmul.f32 v0, v54;
	v40 =	vmul.f32 v7, v57;
	v39 =	vld.idx.msk [tilespmem:v23+s20+$0x0], $0xffff  }
0x1dc: {  	v42 =	vld.idx.msk [tilespmem:v15+s20+$0x0], $0xffff;
	v63 =	vmul.f32 v13, v52  }
0x1dd: {  	v44 =	vld.idx.msk [tilespmem:v20+s20+$0x0], $0xffff;
	v0 =	vadd.f32 v0, v38;
	v4 =	vadd.f32 v40, v41;
	v43 =	vmul.f32 v19, v17  }
0x1de: {  	v45 =	vmul.f32 v24, v52;
	v47 =	vld.idx.msk [tilespmem:v22+s20+$0x0], $0xffff;
	v46 =	vmul.f32 v28, v34;
	v1 =	vadd.f32 v14, v63  }
0x1df: {  	v53 =	vmul.f32 v18, v17;
	v49 =	vmul.f32 v35, v36;
	v48 =	vadd.f32 v12, v43;
	v50 =	vld.idx.msk [tilespmem:v21+s20+$0x0], $0xffff  }
0x1e0: {  	v51 =	vadd.f32 v16, v46;
	v1 =	vmul.f32 v1, v60;
	v52 =	vmul.f32 v31, v39  }
0x1e1: {  	v55 =	vmul.f32 v26, v34;
	v7 =	vadd.f32 v32, v49;
	v5 =	vmul.f32 v48, v42  }
0x1e2: {  	[tilespmem:s5+$0x390] =	vst v0;
	v54 =	vmul.f32 v51, v44;
	v1 =	vadd.f32 v1, v45;
	v56 =	vadd.f32 v37, v52  }
0x1e3: {  	[tilespmem:s11+$0x390] =	vst v4;
	v59 =	vmul.f32 v30, v36;
	v58 =	vmul.f32 v7, v47;
	v57 =	vadd.f32 v5, v53  }
0x1e4: {  	v0 =	vadd.f32 v54, v55;
	[tilespmem:s12+$0x390] =	vst v1;
	v61 =	vmul.f32 v29, v39;
	v60 =	vmul.f32 v56, v50  }
0x1e5: {  	v62 =	vadd.f32 v58, v59;
	[tilespmem:s2+$0x390] =	vst v57  }
0x1e6: {  	[tilespmem:s6+$0x390] =	vst v0;
	v63 =	vadd.f32 v60, v61  }
0x1e7: {  	[tilespmem:s9+$0x390] =	vst v62  }
0x1e8: {  	[tilespmem:s21+$0x390] =	vst v63  }
0x1e9: {  	s29 =	rddreg [dreg:$0xe]  }
0x1ea: {  	s29 =	sadd.s32 $0x1, s29  }
0x1eb: {  	s26 =	rddreg [dreg:$0xb];
	p0 =	sne.s32 s29, $0x10  }
.Ltmp1:
0x1ec: {  	s2 =	rddreg [dreg:$0xf];
	(pc) =	sbr.rel @p0 .LBB2_3-.Ltmp1, $4  }
0x1ed: {  	s6 =	rddreg [dreg:$0xc]  }
0x1ee: {  	s28 =	simm.s32 $0x0;
	s30 =	sadd.s32 $0x400, s30;
	s31 =	rddreg [dreg:$0xd]  }
0x1ef: {  	s1 =	sadd.s32 s2, s26;
	s6 =	sadd.s32 $0x400, s6;
	s4 =	sadd.s32 $0x400, s31  }
0x1f0: {  	[hbm4b:s1+s28] =	stream.linear.scatter [tilespmem:s0], [sflag:$0x1], $0x2000, $0x38;
	[tilespmem:$0x1E000] =	vst v63  }
0x1f1: {  	s3 =	rddreg [dreg:$0x9]  }
0x1f2: {  	s3 =	sadd.s32 $0x1, s3  }
0x1f3: {  	p0 =	sne.s32 s3, $0x10  }
.Ltmp2:
0x1f4: {  	_ = 	snop;
	(pc) =	sbr.rel @p0 .LBB2_2-.Ltmp2, $1  }
0x1f5: {  	_ =	sdelay $0x3  }
0x1f6: {  	s1 =	simm.s32 $0x1  }
0x1f7: {  	_ =	swait.ge [sflag:s1], $0x2000  }
0x1f8: {  	[sflag:s1] =	ssyncset.done $0x0  }
0x1f9: {  	[sflag:s1] =	ssyncadd.s32 $0xFFFFE000  }
0x1fa: {  	_ =	swait.ge [sflag:s1], $0x2000  }
0x1fb: {  	s2 =	rddreg [dreg:$0x8]  }
0x1fc: {  	s0 =	rddreg [dreg:$0x7];
	s2 =	sadd.s32 $0x1, s2  }
0x1fd: {  	p0 =	sne.s32 s2, s0  }
.Ltmp3:
0x1fe: {  	_ = 	snop;
	(pc) =	sbr.rel @p0 .LBB2_1-.Ltmp3, $3  }
0x1ff: {  	_ =	sdelay $0x1  }
0x200: {  	[sflag:s1] =	ssyncset.done $0x0  }
0x201: {  	[sflag:s1] =	ssyncadd.s32 $0xFFFFE000  }
0x202: {  	_ =	sfence.sel $0x180000  }
0x203: {  	[bflag:$0x0] =	sbarrier.arrive $0xFFFF  }
0x204: {  	_ =	strace $0x90000047  }
0x205: {  	s0 =	stileid.u32;
	[bflag:$0x2] =	sbarrier.arrive $0xFFFF  }
0x206: {  	p0 =	sne.s32 s0, $0x0;
	s0 =	rddreg [dreg:$0x3]  }
0x207: {  	s0 =	sadd.s32 @!p0 $0x100000, s0  }
0x208: {  	[sflag:s0] =	ssyncadd.tile.s32 @!p0 $0x1;
	_ =	shalt  }
.Lfunc_end2:
_tile_overlayer_lowered:
.L_overlay_start_2:
0x209: {  	(tag) =	ssettag $0x2  }
0x20a: {  	s0 =	rddreg [dreg:$0x0];
	s2 =	stileid.u32  }
0x20b: {  	s1 =	rddreg [dreg:$0x1];
	p0 =	sne.s32 s2, $0x0  }
0x20c: {  	s3 =	rddreg [dreg:$0x2];
	[bflag:$0x3] =	sbarrier.arrive $0xFFFF;
	s2 =	simm.s32 @!p0 $0x1C02  }
0x20d: {  	[timem:s3], [sflag:s2] =	dma.local @!p0 [hbm:s0], s1  }
0x20e: {  	s0 =	simm.s32 @!p0 $0x2  }
0x20f: {  	_ =	swait.ge @!p0 [sflag:s0], s1  }
0x210: {  	s1 =	ssub.s32 @!p0 $0x0, s1;
	[sflag:s0] =	ssyncset.done @!p0 $0x0  }
0x211: {  	[sflag:s0] =	ssyncadd.s32 @!p0 s1  }
0x212: {  	[bflag:$0x3] =	sbarrier.arrive $0xFFFF  }
0x213: {  	_ =	shalt  }

</sc_bundles>
